<compile_context>
chip_gen: v7x
topology: tpu7x:2x2x1
jax: 0.10.2.dev20260603
libtpu: 0.0.44.dev20260713+nightly
codegen_flags: <defaults>
</compile_context>

<pallas_src>
import jax
import jax.numpy as jnp
from jax import lax
from jax.experimental import pallas as pl
from jax.experimental.pallas import tpu as pltpu
from jax.experimental.pallas import tpu_sc as plsc

N = 10000
E = 160000
D_IN = 256
D_HID = 512
D_LAT = 256

NC = 2
NS = 16
DH = D_IN // NC

CK = 128
CH = 80
EPAD = NS * CH * CK

ROWS_A = 10368
ZPT = ROWS_A // NS
NOUT = 10240
OPT = NOUT // NS

CHD = CH // NC
ROWS_D = 10368
ZPT_D = ROWS_D // NS
OPT_D = NOUT // NS


def _chunks(total, step):
    out = []
    off = 0
    while off < total:
        sz = min(step, total - off)
        out.append((off, sz))
        off += sz
    return tuple(out)


OCH = _chunks(OPT, CK)
OCHD = _chunks(OPT_D, CK)


def _agg_body(x2_hbm, src_hbm, dst_hbm, zrow_hbm, agg_hbm,
              src_v, dst_v, rows_v, agg_s):
    c = lax.axis_index("c")
    s = lax.axis_index("s")

    pltpu.sync_copy(src_hbm.at[c * NS + s], src_v)
    pltpu.sync_copy(dst_hbm.at[s], dst_v)
    pltpu.sync_copy(zrow_hbm, agg_s.at[pl.ds(s * ZPT, ZPT)])
    plsc.subcore_barrier()

    def body(ch, carry):
        pltpu.sync_copy(x2_hbm.at[src_v.at[ch]], rows_v)
        pltpu.sync_copy(rows_v, agg_s.at[dst_v.at[ch]], add=True)
        return carry

    lax.fori_loop(0, CH, body, None)
    plsc.subcore_barrier()

    for off, sz in OCH:
        lr = s * OPT + off
        pltpu.sync_copy(agg_s.at[pl.ds(lr, sz)],
                        agg_hbm.at[c, pl.ds(lr, sz)])


def _deg_body(dst_hbm, ones_hbm, zrow_hbm, deg_hbm,
              dst_v, ones_v, deg_s):
    c = lax.axis_index("c")
    s = lax.axis_index("s")

    pltpu.sync_copy(dst_hbm.at[s * NC + c], dst_v)
    pltpu.sync_copy(ones_hbm, ones_v)
    pltpu.sync_copy(zrow_hbm, deg_s.at[pl.ds(s * ZPT_D, ZPT_D)])
    plsc.subcore_barrier()

    def body(ch, carry):
        pltpu.sync_copy(ones_v, deg_s.at[dst_v.at[ch]], add=True)
        return carry

    lax.fori_loop(0, CHD, body, None)
    plsc.subcore_barrier()

    for off, sz in OCHD:
        lr = s * OPT_D + off
        pltpu.sync_copy(deg_s.at[pl.ds(lr, sz)],
                        deg_hbm.at[c, pl.ds(lr, sz)])


def _sc_aggregate(x2, src_i, dst_i, zrow_blk):
    mesh = plsc.VectorSubcoreMesh(core_axis_name="c", subcore_axis_name="s")
    f32 = jnp.float32
    run = pl.kernel(
        _agg_body,
        out_type=jax.ShapeDtypeStruct((NC, NOUT, DH), f32),
        mesh=mesh,
        scratch_types=[
            pltpu.VMEM((CH, CK), jnp.int32),
            pltpu.VMEM((CH, CK), jnp.int32),
            pltpu.VMEM((CK, DH), f32),
            pltpu.VMEM_SHARED((ROWS_A, DH), f32),
        ],
    )
    return run(x2, src_i, dst_i, zrow_blk)


def _sc_degree(dst_i, ones_blk, zrow_blk):
    mesh = plsc.VectorSubcoreMesh(core_axis_name="c", subcore_axis_name="s")
    f32 = jnp.float32
    run = pl.kernel(
        _deg_body,
        out_type=jax.ShapeDtypeStruct((NC, NS * OPT_D, DH), f32),
        mesh=mesh,
        scratch_types=[
            pltpu.VMEM((CHD, CK), jnp.int32),
            pltpu.VMEM((CK, DH), f32),
            pltpu.VMEM_SHARED((ROWS_D, DH), f32),
        ],
    )
    return run(dst_i, ones_blk, zrow_blk)


def _leaky(t):
    return jnp.where(t >= 0, t, 0.01 * t)


_PREC = lax.Precision.HIGHEST


def _mlp_body(a0_ref, a1_ref, x_ref, d0_ref, d1_ref,
              wg_ref, bg_ref, w1_ref, b1_ref, w2_ref, b2_ref,
              wk_ref, bk_ref, z_ref, keys_ref):
    x = x_ref[...]
    agg = jnp.concatenate([a0_ref[...], a1_ref[...]], axis=1)
    deg = d0_ref[...] + d1_ref[...]
    h = (agg + x) / (deg + 1.0)
    t = jnp.dot(h, wg_ref[...], precision=_PREC,
                preferred_element_type=jnp.float32) + bg_ref[...]
    t = _leaky(t)
    t = jnp.dot(t, w1_ref[...], precision=_PREC,
                preferred_element_type=jnp.float32) + b1_ref[...]
    t = _leaky(t)
    z_ref[...] = jnp.dot(t, w2_ref[...], precision=_PREC,
                         preferred_element_type=jnp.float32) + b2_ref[...]
    keys_ref[...] = jnp.dot(x, wk_ref[...], precision=_PREC,
                            preferred_element_type=jnp.float32) + bk_ref[...]


_RB = 1000


def _mlp_call(a0, a1, x, d0, d1, Wg, bg, W1, b1, W2, b2, Wk, bk):
    grid = (N // _RB,)
    row = lambda i: (i, 0)
    rep = lambda i: (0, 0)
    return pl.pallas_call(
        _mlp_body,
        grid=grid,
        in_specs=[
            pl.BlockSpec((_RB, DH), row),
            pl.BlockSpec((_RB, DH), row),
            pl.BlockSpec((_RB, D_IN), row),
            pl.BlockSpec((_RB, 1), row),
            pl.BlockSpec((_RB, 1), row),
            pl.BlockSpec((D_IN, D_HID), rep),
            pl.BlockSpec((1, D_HID), rep),
            pl.BlockSpec((D_HID, D_HID), rep),
            pl.BlockSpec((1, D_HID), rep),
            pl.BlockSpec((D_HID, D_LAT), rep),
            pl.BlockSpec((1, D_LAT), rep),
            pl.BlockSpec((D_IN, D_LAT), rep),
            pl.BlockSpec((1, D_LAT), rep),
        ],
        out_specs=[pl.BlockSpec((_RB, D_LAT), row),
                   pl.BlockSpec((_RB, D_LAT), row)],
        out_shape=[jax.ShapeDtypeStruct((N, D_LAT), jnp.float32),
                   jax.ShapeDtypeStruct((N, D_LAT), jnp.float32)],
    )(a0, a1, x, d0, d1, Wg, bg, W1, b1, W2, b2, Wk, bk)


def kernel(x, edge, W_gnn, b_gnn, W1, b1, W2, b2, Wk, bk):
    src = edge[0].astype(jnp.int32)
    dst = edge[1].astype(jnp.int32)
    pad = EPAD - E
    srcp = jnp.concatenate([src, jnp.zeros((pad,), jnp.int32)])
    dstp = jnp.concatenate([dst, jnp.full((pad,), -1, jnp.int32)])
    x2 = x.reshape(N, NC, DH).reshape(N * NC, DH)
    src2 = (srcp[None, :] * NC
            + jnp.arange(NC, dtype=jnp.int32)[:, None]).reshape(NC * NS, CH, CK)
    dstf = jnp.where(dstp < 0, N, dstp)
    dst3 = dstf.reshape(NS, CH, CK)
    dstd = dstf.reshape(NS * NC, CHD, CK)

    ones_blk = jnp.ones((CK, DH), jnp.float32)
    zrow_blk = jnp.zeros((ZPT, DH), jnp.float32)
    agg = _sc_aggregate(x2, src2, dst3, zrow_blk)
    deg = _sc_degree(dstd, ones_blk, zrow_blk)

    z, keys = _mlp_call(agg[0, :N], agg[1, :N], x,
                        deg[0, :N, 0:1], deg[1, :N, 0:1],
                        W_gnn, b_gnn.reshape(1, D_HID),
                        W1, b1.reshape(1, D_HID),
                        W2, b2.reshape(1, D_LAT),
                        Wk, bk.reshape(1, D_LAT))
    return (z, keys)

# --- scband reference (transcript-rebuilt; emitter-appended) ---
"""Pipeline reference for scband-gnnencoder-89687507075109 (READ-ONLY COPY).

The authoritative reference and input builder live on the scoring server;
editing this copy changes nothing except your own understanding.
"""

import jax, jax.numpy as jnp
import numpy as np

N = 10000
E = 160000
D_IN = 256
D_HID = 512
D_LAT = 256


def leaky_relu(x, slope=0.01):
    return jnp.where(x >= 0, x, slope * x)


def setup_inputs(seed: int = 0) -> dict:
    key = jax.random.key(seed)
    ks = jax.random.split(key, 12)
    x = jax.random.normal(ks[0], (N, D_IN), dtype=jnp.float32)
    edge = jax.random.randint(ks[1], (2, E), 0, N, dtype=jnp.int64)
    # GNN (GCN-style mean aggregation with self loop + linear) params
    W_gnn = jax.random.normal(ks[2], (D_IN, D_HID), dtype=jnp.float32) * (1.0 / np.sqrt(D_IN))
    b_gnn = jnp.zeros((D_HID,), dtype=jnp.float32)
    # MLP params: Linear(hidden, hidden), Linear(hidden, latent)
    W1 = jax.random.normal(ks[3], (D_HID, D_HID), dtype=jnp.float32) * (1.0 / np.sqrt(D_HID))
    b1 = jax.random.normal(ks[4], (D_HID,), dtype=jnp.float32) * 0.01
    W2 = jax.random.normal(ks[5], (D_HID, D_LAT), dtype=jnp.float32) * (1.0 / np.sqrt(D_HID))
    b2 = jax.random.normal(ks[6], (D_LAT,), dtype=jnp.float32) * 0.01
    # keys: Linear(input, latent)
    Wk = jax.random.normal(ks[7], (D_IN, D_LAT), dtype=jnp.float32) * (1.0 / np.sqrt(D_IN))
    bk = jax.random.normal(ks[8], (D_LAT,), dtype=jnp.float32) * 0.01
    return {"x": x, "edge": edge, "W_gnn": W_gnn, "b_gnn": b_gnn, "W1": W1, "b1": b1, "W2": W2, "b2": b2, "Wk": Wk, "bk": bk}


def reference(x, edge, W_gnn, b_gnn, W1, b1, W2, b2, Wk, bk):
    src = edge[0]
    dst = edge[1]
    # GNN: mean aggregation over neighbors (with implicit self loop) + linear
    agg = jnp.zeros((N, D_IN), dtype=x.dtype).at[dst].add(x[src])
    deg = jnp.zeros((N,), dtype=x.dtype).at[dst].add(jnp.ones((E,), dtype=x.dtype))
    h = (agg + x) / (deg[:, None] + 1.0)
    z = h @ W_gnn + b_gnn
    # mlp = Sequential(LeakyReLU, Linear(hid, hid), LeakyReLU, Linear(hid, lat))
    z = leaky_relu(z)
    z = z @ W1 + b1
    z = leaky_relu(z)
    z = z @ W2 + b2
    # keys = Linear(input, latent)(x)
    keys = x @ Wk + bk
    return (z, keys)

if __name__ == "__main__":
    import jax
    _d = setup_inputs()
    print(jax.jit(kernel)(*tuple(_d.values())))

</pallas_src>

<mosaic_0001>
#map = affine_map<(d0, d1) -> (0, 0)>
#map1 = affine_map<(d0, d1) -> (0, 0, 0)>
module attributes {stable_mosaic.version = 14 : i64} {
  func.func @_agg_body(%arg0: i32, %arg1: i32, %arg2: memref<20000x128xf32, #tpu.memory_space<hbm>>, %arg3: memref<32x80x128xi32, #tpu.memory_space<hbm>>, %arg4: memref<16x80x128xi32, #tpu.memory_space<hbm>>, %arg5: memref<648x128xf32, #tpu.memory_space<hbm>>, %arg6: memref<2x10240x128xf32, #tpu.memory_space<hbm>>, %arg7: memref<80x128xi32, #tpu.memory_space<vmem>>, %arg8: memref<80x128xi32, #tpu.memory_space<vmem>>, %arg9: memref<128x128xf32, #tpu.memory_space<vmem>>, %arg10: memref<10368x128xf32, #tpu.memory_space<vmem_shared>>) attributes {dimension_semantics = [#tpu.dimension_semantics<core_parallel>, #tpu.dimension_semantics<subcore_parallel>], iteration_bounds = array<i64: 2, 16>, scalar_prefetch = 0 : i64, scratch_operands = 4 : i64, tpu.core_type = #tpu.core_type<sc_vector_subcore>, window_params = [{transform_indices = #map}, {transform_indices = #map1}, {transform_indices = #map1}, {transform_indices = #map}, {transform_indices = #map1}]} {
    %mul3A = arith.constant 16 : i32
    %mul3A_0 = arith.muli %arg0, %mul3A : i32
    %add3A = arith.addi %mul3A_0, %arg1 : i32
    "tpu.region"() ({
      %run_scoped3A = tpu.sem_alloc : memref<!tpu.dma_semaphore, #tpu.memory_space<semaphore_mem>>
      %dma_start3A = arith.constant 0 : i32
      %dma_start3A_28 = arith.constant 0 : i32
      %dma_start3A_29 = tpu.memref_slice %arg3[%add3A, %dma_start3A, %dma_start3A_28] : memref<32x80x128xi32, #tpu.memory_space<hbm>> -> memref<1x80x128xi32, #tpu.memory_space<hbm>>
      %dma_start3A_30 = tpu.memref_squeeze %dma_start3A_29 : memref<1x80x128xi32, #tpu.memory_space<hbm>> -> memref<80x128xi32, #tpu.memory_space<hbm>>
      %dma_start3A_31 = arith.constant 0 : i32
      %dma_start3A_32 = arith.constant 0 : i32
      %dma_start3A_33 = tpu.memref_slice %arg3[%add3A, %dma_start3A_31, %dma_start3A_32] : memref<32x80x128xi32, #tpu.memory_space<hbm>> -> memref<1x80x128xi32, #tpu.memory_space<hbm>>
      %dma_start3A_34 = tpu.memref_squeeze %dma_start3A_33 : memref<1x80x128xi32, #tpu.memory_space<hbm>> -> memref<80x128xi32, #tpu.memory_space<hbm>>
      tpu.enqueue_dma source(%dma_start3A_34 : memref<80x128xi32, #tpu.memory_space<hbm>>) target(%arg7 : memref<80x128xi32, #tpu.memory_space<vmem>>) target_semaphore(%run_scoped3A : memref<!tpu.dma_semaphore, #tpu.memory_space<semaphore_mem>>)
      %dma_wait3A = arith.constant 0 : i32
      %dma_wait3A_35 = arith.constant 0 : i32
      %dma_wait3A_36 = tpu.memref_slice %arg3[%add3A, %dma_wait3A, %dma_wait3A_35] : memref<32x80x128xi32, #tpu.memory_space<hbm>> -> memref<1x80x128xi32, #tpu.memory_space<hbm>>
      %dma_wait3A_37 = tpu.memref_squeeze %dma_wait3A_36 : memref<1x80x128xi32, #tpu.memory_space<hbm>> -> memref<80x128xi32, #tpu.memory_space<hbm>>
      %dma_wait3A_38 = arith.constant 0 : i32
      %dma_wait3A_39 = arith.constant 0 : i32
      %dma_wait3A_40 = tpu.memref_slice %arg3[%add3A, %dma_wait3A_38, %dma_wait3A_39] : memref<32x80x128xi32, #tpu.memory_space<hbm>> -> memref<1x80x128xi32, #tpu.memory_space<hbm>>
      %dma_wait3A_41 = tpu.memref_squeeze %dma_wait3A_40 : memref<1x80x128xi32, #tpu.memory_space<hbm>> -> memref<80x128xi32, #tpu.memory_space<hbm>>
      tpu.wait_dma2 semaphore(%run_scoped3A : memref<!tpu.dma_semaphore, #tpu.memory_space<semaphore_mem>>) src(%dma_wait3A_41 : memref<80x128xi32, #tpu.memory_space<hbm>>) dst(%arg7 : memref<80x128xi32, #tpu.memory_space<vmem>>)
      tpu.yield
    }) : () -> ()
    "tpu.region"() ({
      %run_scoped3A = tpu.sem_alloc : memref<!tpu.dma_semaphore, #tpu.memory_space<semaphore_mem>>
      %dma_start3A = arith.constant 0 : i32
      %dma_start3A_28 = arith.constant 0 : i32
      %dma_start3A_29 = tpu.memref_slice %arg4[%arg1, %dma_start3A, %dma_start3A_28] : memref<16x80x128xi32, #tpu.memory_space<hbm>> -> memref<1x80x128xi32, #tpu.memory_space<hbm>>
      %dma_start3A_30 = tpu.memref_squeeze %dma_start3A_29 : memref<1x80x128xi32, #tpu.memory_space<hbm>> -> memref<80x128xi32, #tpu.memory_space<hbm>>
      %dma_start3A_31 = arith.constant 0 : i32
      %dma_start3A_32 = arith.constant 0 : i32
      %dma_start3A_33 = tpu.memref_slice %arg4[%arg1, %dma_start3A_31, %dma_start3A_32] : memref<16x80x128xi32, #tpu.memory_space<hbm>> -> memref<1x80x128xi32, #tpu.memory_space<hbm>>
      %dma_start3A_34 = tpu.memref_squeeze %dma_start3A_33 : memref<1x80x128xi32, #tpu.memory_space<hbm>> -> memref<80x128xi32, #tpu.memory_space<hbm>>
      tpu.enqueue_dma source(%dma_start3A_34 : memref<80x128xi32, #tpu.memory_space<hbm>>) target(%arg8 : memref<80x128xi32, #tpu.memory_space<vmem>>) target_semaphore(%run_scoped3A : memref<!tpu.dma_semaphore, #tpu.memory_space<semaphore_mem>>)
      %dma_wait3A = arith.constant 0 : i32
      %dma_wait3A_35 = arith.constant 0 : i32
      %dma_wait3A_36 = tpu.memref_slice %arg4[%arg1, %dma_wait3A, %dma_wait3A_35] : memref<16x80x128xi32, #tpu.memory_space<hbm>> -> memref<1x80x128xi32, #tpu.memory_space<hbm>>
      %dma_wait3A_37 = tpu.memref_squeeze %dma_wait3A_36 : memref<1x80x128xi32, #tpu.memory_space<hbm>> -> memref<80x128xi32, #tpu.memory_space<hbm>>
      %dma_wait3A_38 = arith.constant 0 : i32
      %dma_wait3A_39 = arith.constant 0 : i32
      %dma_wait3A_40 = tpu.memref_slice %arg4[%arg1, %dma_wait3A_38, %dma_wait3A_39] : memref<16x80x128xi32, #tpu.memory_space<hbm>> -> memref<1x80x128xi32, #tpu.memory_space<hbm>>
      %dma_wait3A_41 = tpu.memref_squeeze %dma_wait3A_40 : memref<1x80x128xi32, #tpu.memory_space<hbm>> -> memref<80x128xi32, #tpu.memory_space<hbm>>
      tpu.wait_dma2 semaphore(%run_scoped3A : memref<!tpu.dma_semaphore, #tpu.memory_space<semaphore_mem>>) src(%dma_wait3A_41 : memref<80x128xi32, #tpu.memory_space<hbm>>) dst(%arg8 : memref<80x128xi32, #tpu.memory_space<vmem>>)
      tpu.yield
    }) : () -> ()
    %mul3A_1 = arith.constant 648 : i32
    %mul3A_2 = arith.muli %arg1, %mul3A_1 : i32
    "tpu.region"() ({
      %run_scoped3A = tpu.sem_alloc : memref<!tpu.dma_semaphore, #tpu.memory_space<semaphore_mem>>
      %dma_start3A = arith.constant 0 : i32
      %dma_start3A_28 = tpu.memref_slice %arg10[%mul3A_2, %dma_start3A] : memref<10368x128xf32, #tpu.memory_space<vmem_shared>> -> memref<648x128xf32, #tpu.memory_space<vmem_shared>>
      tpu.enqueue_dma source(%arg5 : memref<648x128xf32, #tpu.memory_space<hbm>>) target(%dma_start3A_28 : memref<648x128xf32, #tpu.memory_space<vmem_shared>>) target_semaphore(%run_scoped3A : memref<!tpu.dma_semaphore, #tpu.memory_space<semaphore_mem>>)
      %dma_wait3A = arith.constant 0 : i32
      %dma_wait3A_29 = tpu.memref_slice %arg10[%mul3A_2, %dma_wait3A] : memref<10368x128xf32, #tpu.memory_space<vmem_shared>> -> memref<648x128xf32, #tpu.memory_space<vmem_shared>>
      tpu.wait_dma2 semaphore(%run_scoped3A : memref<!tpu.dma_semaphore, #tpu.memory_space<semaphore_mem>>) src(%arg5 : memref<648x128xf32, #tpu.memory_space<hbm>>) dst(%dma_wait3A_29 : memref<648x128xf32, #tpu.memory_space<vmem_shared>>)
      tpu.yield
    }) : () -> ()
    %barrier3A = arith.constant 0 : index
    tpu.barrier barrier_id(%barrier3A)
    %scan3A = arith.constant 0 : i32
    %scan3A_3 = arith.constant 80 : i32
    %scan3A_4 = arith.addi %scan3A, %scan3A_3 : i32
    %scan3A_5 = arith.constant 1 : i32
    scf.for %scan3A_28 = %scan3A to %scan3A_4 step %scan3A_5  : i32 {
      "tpu.region"() ({
        %run_scoped3A = tpu.sem_alloc : memref<!tpu.dma_semaphore, #tpu.memory_space<semaphore_mem>>
        %dma_start3A = arith.constant 0 : i32
        %dma_start3A_29 = tpu.memref_slice %arg7[%scan3A_28, %dma_start3A] : memref<80x128xi32, #tpu.memory_space<vmem>> -> memref<1x128xi32, #tpu.memory_space<vmem>>
        %dma_start3A_30 = tpu.memref_squeeze %dma_start3A_29 : memref<1x128xi32, #tpu.memory_space<vmem>> -> memref<128xi32, #tpu.memory_space<vmem>>
        %dma_start3A_31 = arith.constant 0 : i32
        %dma_start3A_32 = arith.constant 0 : i32
        %dma_start3A_33 = tpu.memref_slice %arg2[%dma_start3A_31, %dma_start3A_32] : memref<20000x128xf32, #tpu.memory_space<hbm>> -> memref<20000x128xf32, #tpu.memory_space<hbm>>
        tpu.enqueue_indirect_dma source(%dma_start3A_33 : memref<20000x128xf32, #tpu.memory_space<hbm>>) target(%arg9 : memref<128x128xf32, #tpu.memory_space<vmem>>) offsets(%dma_start3A_30 : memref<128xi32, #tpu.memory_space<vmem>>) semaphore(%run_scoped3A : memref<!tpu.dma_semaphore, #tpu.memory_space<semaphore_mem>>)
        %dma_wait3A = arith.constant 0 : i32
        %dma_wait3A_34 = tpu.memref_slice %arg7[%scan3A_28, %dma_wait3A] : memref<80x128xi32, #tpu.memory_space<vmem>> -> memref<1x128xi32, #tpu.memory_space<vmem>>
        %dma_wait3A_35 = tpu.memref_squeeze %dma_wait3A_34 : memref<1x128xi32, #tpu.memory_space<vmem>> -> memref<128xi32, #tpu.memory_space<vmem>>
        %dma_wait3A_36 = arith.constant 0 : i32
        %dma_wait3A_37 = arith.constant 0 : i32
        %dma_wait3A_38 = tpu.memref_slice %arg2[%dma_wait3A_36, %dma_wait3A_37] : memref<20000x128xf32, #tpu.memory_space<hbm>> -> memref<20000x128xf32, #tpu.memory_space<hbm>>
        tpu.wait_indirect_dma semaphore(%run_scoped3A : memref<!tpu.dma_semaphore, #tpu.memory_space<semaphore_mem>>) src(%dma_wait3A_38 : memref<20000x128xf32, #tpu.memory_space<hbm>>) dst(%arg9 : memref<128x128xf32, #tpu.memory_space<vmem>>)
        tpu.yield
      }) : () -> ()
      "tpu.region"() ({
        %run_scoped3A = tpu.sem_alloc : memref<!tpu.dma_semaphore, #tpu.memory_space<semaphore_mem>>
        %dma_start3A = arith.constant 0 : i32
        %dma_start3A_29 = tpu.memref_slice %arg8[%scan3A_28, %dma_start3A] : memref<80x128xi32, #tpu.memory_space<vmem>> -> memref<1x128xi32, #tpu.memory_space<vmem>>
        %dma_start3A_30 = tpu.memref_squeeze %dma_start3A_29 : memref<1x128xi32, #tpu.memory_space<vmem>> -> memref<128xi32, #tpu.memory_space<vmem>>
        %dma_start3A_31 = arith.constant 0 : i32
        %dma_start3A_32 = arith.constant 0 : i32
        %dma_start3A_33 = tpu.memref_slice %arg10[%dma_start3A_31, %dma_start3A_32] : memref<10368x128xf32, #tpu.memory_space<vmem_shared>> -> memref<10368x128xf32, #tpu.memory_space<vmem_shared>>
        tpu.enqueue_indirect_dma source(%arg9 : memref<128x128xf32, #tpu.memory_space<vmem>>) target(%dma_start3A_33 : memref<10368x128xf32, #tpu.memory_space<vmem_shared>>) offsets(%dma_start3A_30 : memref<128xi32, #tpu.memory_space<vmem>>) semaphore(%run_scoped3A : memref<!tpu.dma_semaphore, #tpu.memory_space<semaphore_mem>>) {add = true}
        %dma_wait3A = arith.constant 0 : i32
        %dma_wait3A_34 = tpu.memref_slice %arg8[%scan3A_28, %dma_wait3A] : memref<80x128xi32, #tpu.memory_space<vmem>> -> memref<1x128xi32, #tpu.memory_space<vmem>>
        %dma_wait3A_35 = tpu.memref_squeeze %dma_wait3A_34 : memref<1x128xi32, #tpu.memory_space<vmem>> -> memref<128xi32, #tpu.memory_space<vmem>>
        %dma_wait3A_36 = arith.constant 0 : i32
        %dma_wait3A_37 = arith.constant 0 : i32
        %dma_wait3A_38 = tpu.memref_slice %arg10[%dma_wait3A_36, %dma_wait3A_37] : memref<10368x128xf32, #tpu.memory_space<vmem_shared>> -> memref<10368x128xf32, #tpu.memory_space<vmem_shared>>
        tpu.wait_indirect_dma semaphore(%run_scoped3A : memref<!tpu.dma_semaphore, #tpu.memory_space<semaphore_mem>>) src(%arg9 : memref<128x128xf32, #tpu.memory_space<vmem>>) dst(%dma_wait3A_38 : memref<10368x128xf32, #tpu.memory_space<vmem_shared>>)
        tpu.yield
      }) : () -> ()
    }
    %scan3A_6 = arith.constant 80 : i32
    %barrier3A_7 = arith.constant 0 : index
    tpu.barrier barrier_id(%barrier3A_7)
    %mul3A_8 = arith.constant 640 : i32
    %mul3A_9 = arith.muli %arg1, %mul3A_8 : i32
    %add3A_10 = arith.constant 0 : i32
    %add3A_11 = arith.addi %mul3A_9, %add3A_10 : i32
    "tpu.region"() ({
      %run_scoped3A = tpu.sem_alloc : memref<!tpu.dma_semaphore, #tpu.memory_space<semaphore_mem>>
      %dma_start3A = arith.constant 0 : i32
      %dma_start3A_28 = tpu.memref_slice %arg6[%arg0, %add3A_11, %dma_start3A] : memref<2x10240x128xf32, #tpu.memory_space<hbm>> -> memref<1x128x128xf32, #tpu.memory_space<hbm>>
      %dma_start3A_29 = tpu.memref_squeeze %dma_start3A_28 : memref<1x128x128xf32, #tpu.memory_space<hbm>> -> memref<128x128xf32, #tpu.memory_space<hbm>>
      %dma_start3A_30 = arith.constant 0 : i32
      %dma_start3A_31 = tpu.memref_slice %arg10[%add3A_11, %dma_start3A_30] : memref<10368x128xf32, #tpu.memory_space<vmem_shared>> -> memref<128x128xf32, #tpu.memory_space<vmem_shared>>
      tpu.enqueue_dma source(%dma_start3A_31 : memref<128x128xf32, #tpu.memory_space<vmem_shared>>) target(%dma_start3A_29 : memref<128x128xf32, #tpu.memory_space<hbm>>) target_semaphore(%run_scoped3A : memref<!tpu.dma_semaphore, #tpu.memory_space<semaphore_mem>>)
      %dma_wait3A = arith.constant 0 : i32
      %dma_wait3A_32 = tpu.memref_slice %arg6[%arg0, %add3A_11, %dma_wait3A] : memref<2x10240x128xf32, #tpu.memory_space<hbm>> -> memref<1x128x128xf32, #tpu.memory_space<hbm>>
      %dma_wait3A_33 = tpu.memref_squeeze %dma_wait3A_32 : memref<1x128x128xf32, #tpu.memory_space<hbm>> -> memref<128x128xf32, #tpu.memory_space<hbm>>
      %dma_wait3A_34 = arith.constant 0 : i32
      %dma_wait3A_35 = tpu.memref_slice %arg10[%add3A_11, %dma_wait3A_34] : memref<10368x128xf32, #tpu.memory_space<vmem_shared>> -> memref<128x128xf32, #tpu.memory_space<vmem_shared>>
      tpu.wait_dma2 semaphore(%run_scoped3A : memref<!tpu.dma_semaphore, #tpu.memory_space<semaphore_mem>>) src(%dma_wait3A_35 : memref<128x128xf32, #tpu.memory_space<vmem_shared>>) dst(%dma_wait3A_33 : memref<128x128xf32, #tpu.memory_space<hbm>>)
      tpu.yield
    }) : () -> ()
    %mul3A_12 = arith.constant 640 : i32
    %mul3A_13 = arith.muli %arg1, %mul3A_12 : i32
    %add3A_14 = arith.constant 128 : i32
    %add3A_15 = arith.addi %mul3A_13, %add3A_14 : i32
    "tpu.region"() ({
      %run_scoped3A = tpu.sem_alloc : memref<!tpu.dma_semaphore, #tpu.memory_space<semaphore_mem>>
      %dma_start3A = arith.constant 0 : i32
      %dma_start3A_28 = tpu.memref_slice %arg6[%arg0, %add3A_15, %dma_start3A] : memref<2x10240x128xf32, #tpu.memory_space<hbm>> -> memref<1x128x128xf32, #tpu.memory_space<hbm>>
      %dma_start3A_29 = tpu.memref_squeeze %dma_start3A_28 : memref<1x128x128xf32, #tpu.memory_space<hbm>> -> memref<128x128xf32, #tpu.memory_space<hbm>>
      %dma_start3A_30 = arith.constant 0 : i32
      %dma_start3A_31 = tpu.memref_slice %arg10[%add3A_15, %dma_start3A_30] : memref<10368x128xf32, #tpu.memory_space<vmem_shared>> -> memref<128x128xf32, #tpu.memory_space<vmem_shared>>
      tpu.enqueue_dma source(%dma_start3A_31 : memref<128x128xf32, #tpu.memory_space<vmem_shared>>) target(%dma_start3A_29 : memref<128x128xf32, #tpu.memory_space<hbm>>) target_semaphore(%run_scoped3A : memref<!tpu.dma_semaphore, #tpu.memory_space<semaphore_mem>>)
      %dma_wait3A = arith.constant 0 : i32
      %dma_wait3A_32 = tpu.memref_slice %arg6[%arg0, %add3A_15, %dma_wait3A] : memref<2x10240x128xf32, #tpu.memory_space<hbm>> -> memref<1x128x128xf32, #tpu.memory_space<hbm>>
      %dma_wait3A_33 = tpu.memref_squeeze %dma_wait3A_32 : memref<1x128x128xf32, #tpu.memory_space<hbm>> -> memref<128x128xf32, #tpu.memory_space<hbm>>
      %dma_wait3A_34 = arith.constant 0 : i32
      %dma_wait3A_35 = tpu.memref_slice %arg10[%add3A_15, %dma_wait3A_34] : memref<10368x128xf32, #tpu.memory_space<vmem_shared>> -> memref<128x128xf32, #tpu.memory_space<vmem_shared>>
      tpu.wait_dma2 semaphore(%run_scoped3A : memref<!tpu.dma_semaphore, #tpu.memory_space<semaphore_mem>>) src(%dma_wait3A_35 : memref<128x128xf32, #tpu.memory_space<vmem_shared>>) dst(%dma_wait3A_33 : memref<128x128xf32, #tpu.memory_space<hbm>>)
      tpu.yield
    }) : () -> ()
    %mul3A_16 = arith.constant 640 : i32
    %mul3A_17 = arith.muli %arg1, %mul3A_16 : i32
    %add3A_18 = arith.constant 256 : i32
    %add3A_19 = arith.addi %mul3A_17, %add3A_18 : i32
    "tpu.region"() ({
      %run_scoped3A = tpu.sem_alloc : memref<!tpu.dma_semaphore, #tpu.memory_space<semaphore_mem>>
      %dma_start3A = arith.constant 0 : i32
      %dma_start3A_28 = tpu.memref_slice %arg6[%arg0, %add3A_19, %dma_start3A] : memref<2x10240x128xf32, #tpu.memory_space<hbm>> -> memref<1x128x128xf32, #tpu.memory_space<hbm>>
      %dma_start3A_29 = tpu.memref_squeeze %dma_start3A_28 : memref<1x128x128xf32, #tpu.memory_space<hbm>> -> memref<128x128xf32, #tpu.memory_space<hbm>>
      %dma_start3A_30 = arith.constant 0 : i32
      %dma_start3A_31 = tpu.memref_slice %arg10[%add3A_19, %dma_start3A_30] : memref<10368x128xf32, #tpu.memory_space<vmem_shared>> -> memref<128x128xf32, #tpu.memory_space<vmem_shared>>
      tpu.enqueue_dma source(%dma_start3A_31 : memref<128x128xf32, #tpu.memory_space<vmem_shared>>) target(%dma_start3A_29 : memref<128x128xf32, #tpu.memory_space<hbm>>) target_semaphore(%run_scoped3A : memref<!tpu.dma_semaphore, #tpu.memory_space<semaphore_mem>>)
      %dma_wait3A = arith.constant 0 : i32
      %dma_wait3A_32 = tpu.memref_slice %arg6[%arg0, %add3A_19, %dma_wait3A] : memref<2x10240x128xf32, #tpu.memory_space<hbm>> -> memref<1x128x128xf32, #tpu.memory_space<hbm>>
      %dma_wait3A_33 = tpu.memref_squeeze %dma_wait3A_32 : memref<1x128x128xf32, #tpu.memory_space<hbm>> -> memref<128x128xf32, #tpu.memory_space<hbm>>
      %dma_wait3A_34 = arith.constant 0 : i32
      %dma_wait3A_35 = tpu.memref_slice %arg10[%add3A_19, %dma_wait3A_34] : memref<10368x128xf32, #tpu.memory_space<vmem_shared>> -> memref<128x128xf32, #tpu.memory_space<vmem_shared>>
      tpu.wait_dma2 semaphore(%run_scoped3A : memref<!tpu.dma_semaphore, #tpu.memory_space<semaphore_mem>>) src(%dma_wait3A_35 : memref<128x128xf32, #tpu.memory_space<vmem_shared>>) dst(%dma_wait3A_33 : memref<128x128xf32, #tpu.memory_space<hbm>>)
      tpu.yield
    }) : () -> ()
    %mul3A_20 = arith.constant 640 : i32
    %mul3A_21 = arith.muli %arg1, %mul3A_20 : i32
    %add3A_22 = arith.constant 384 : i32
    %add3A_23 = arith.addi %mul3A_21, %add3A_22 : i32
    "tpu.region"() ({
      %run_scoped3A = tpu.sem_alloc : memref<!tpu.dma_semaphore, #tpu.memory_space<semaphore_mem>>
      %dma_start3A = arith.constant 0 : i32
      %dma_start3A_28 = tpu.memref_slice %arg6[%arg0, %add3A_23, %dma_start3A] : memref<2x10240x128xf32, #tpu.memory_space<hbm>> -> memref<1x128x128xf32, #tpu.memory_space<hbm>>
      %dma_start3A_29 = tpu.memref_squeeze %dma_start3A_28 : memref<1x128x128xf32, #tpu.memory_space<hbm>> -> memref<128x128xf32, #tpu.memory_space<hbm>>
      %dma_start3A_30 = arith.constant 0 : i32
      %dma_start3A_31 = tpu.memref_slice %arg10[%add3A_23, %dma_start3A_30] : memref<10368x128xf32, #tpu.memory_space<vmem_shared>> -> memref<128x128xf32, #tpu.memory_space<vmem_shared>>
      tpu.enqueue_dma source(%dma_start3A_31 : memref<128x128xf32, #tpu.memory_space<vmem_shared>>) target(%dma_start3A_29 : memref<128x128xf32, #tpu.memory_space<hbm>>) target_semaphore(%run_scoped3A : memref<!tpu.dma_semaphore, #tpu.memory_space<semaphore_mem>>)
      %dma_wait3A = arith.constant 0 : i32
      %dma_wait3A_32 = tpu.memref_slice %arg6[%arg0, %add3A_23, %dma_wait3A] : memref<2x10240x128xf32, #tpu.memory_space<hbm>> -> memref<1x128x128xf32, #tpu.memory_space<hbm>>
      %dma_wait3A_33 = tpu.memref_squeeze %dma_wait3A_32 : memref<1x128x128xf32, #tpu.memory_space<hbm>> -> memref<128x128xf32, #tpu.memory_space<hbm>>
      %dma_wait3A_34 = arith.constant 0 : i32
      %dma_wait3A_35 = tpu.memref_slice %arg10[%add3A_23, %dma_wait3A_34] : memref<10368x128xf32, #tpu.memory_space<vmem_shared>> -> memref<128x128xf32, #tpu.memory_space<vmem_shared>>
      tpu.wait_dma2 semaphore(%run_scoped3A : memref<!tpu.dma_semaphore, #tpu.memory_space<semaphore_mem>>) src(%dma_wait3A_35 : memref<128x128xf32, #tpu.memory_space<vmem_shared>>) dst(%dma_wait3A_33 : memref<128x128xf32, #tpu.memory_space<hbm>>)
      tpu.yield
    }) : () -> ()
    %mul3A_24 = arith.constant 640 : i32
    %mul3A_25 = arith.muli %arg1, %mul3A_24 : i32
    %add3A_26 = arith.constant 512 : i32
    %add3A_27 = arith.addi %mul3A_25, %add3A_26 : i32
    "tpu.region"() ({
      %run_scoped3A = tpu.sem_alloc : memref<!tpu.dma_semaphore, #tpu.memory_space<semaphore_mem>>
      %dma_start3A = arith.constant 0 : i32
      %dma_start3A_28 = tpu.memref_slice %arg6[%arg0, %add3A_27, %dma_start3A] : memref<2x10240x128xf32, #tpu.memory_space<hbm>> -> memref<1x128x128xf32, #tpu.memory_space<hbm>>
      %dma_start3A_29 = tpu.memref_squeeze %dma_start3A_28 : memref<1x128x128xf32, #tpu.memory_space<hbm>> -> memref<128x128xf32, #tpu.memory_space<hbm>>
      %dma_start3A_30 = arith.constant 0 : i32
      %dma_start3A_31 = tpu.memref_slice %arg10[%add3A_27, %dma_start3A_30] : memref<10368x128xf32, #tpu.memory_space<vmem_shared>> -> memref<128x128xf32, #tpu.memory_space<vmem_shared>>
      tpu.enqueue_dma source(%dma_start3A_31 : memref<128x128xf32, #tpu.memory_space<vmem_shared>>) target(%dma_start3A_29 : memref<128x128xf32, #tpu.memory_space<hbm>>) target_semaphore(%run_scoped3A : memref<!tpu.dma_semaphore, #tpu.memory_space<semaphore_mem>>)
      %dma_wait3A = arith.constant 0 : i32
      %dma_wait3A_32 = tpu.memref_slice %arg6[%arg0, %add3A_27, %dma_wait3A] : memref<2x10240x128xf32, #tpu.memory_space<hbm>> -> memref<1x128x128xf32, #tpu.memory_space<hbm>>
      %dma_wait3A_33 = tpu.memref_squeeze %dma_wait3A_32 : memref<1x128x128xf32, #tpu.memory_space<hbm>> -> memref<128x128xf32, #tpu.memory_space<hbm>>
      %dma_wait3A_34 = arith.constant 0 : i32
      %dma_wait3A_35 = tpu.memref_slice %arg10[%add3A_27, %dma_wait3A_34] : memref<10368x128xf32, #tpu.memory_space<vmem_shared>> -> memref<128x128xf32, #tpu.memory_space<vmem_shared>>
      tpu.wait_dma2 semaphore(%run_scoped3A : memref<!tpu.dma_semaphore, #tpu.memory_space<semaphore_mem>>) src(%dma_wait3A_35 : memref<128x128xf32, #tpu.memory_space<vmem_shared>>) dst(%dma_wait3A_33 : memref<128x128xf32, #tpu.memory_space<hbm>>)
      tpu.yield
    }) : () -> ()
    return
  }
}

#map = affine_map<(d0, d1) -> (0, 0, 0)>
#map1 = affine_map<(d0, d1) -> (0, 0)>
module attributes {stable_mosaic.version = 14 : i64} {
  func.func @_deg_body(%arg0: i32, %arg1: i32, %arg2: memref<32x40x128xi32, #tpu.memory_space<hbm>>, %arg3: memref<128x128xf32, #tpu.memory_space<hbm>>, %arg4: memref<648x128xf32, #tpu.memory_space<hbm>>, %arg5: memref<2x10240x128xf32, #tpu.memory_space<hbm>>, %arg6: memref<40x128xi32, #tpu.memory_space<vmem>>, %arg7: memref<128x128xf32, #tpu.memory_space<vmem>>, %arg8: memref<10368x128xf32, #tpu.memory_space<vmem_shared>>) attributes {dimension_semantics = [#tpu.dimension_semantics<core_parallel>, #tpu.dimension_semantics<subcore_parallel>], iteration_bounds = array<i64: 2, 16>, scalar_prefetch = 0 : i64, scratch_operands = 3 : i64, tpu.core_type = #tpu.core_type<sc_vector_subcore>, window_params = [{transform_indices = #map}, {transform_indices = #map1}, {transform_indices = #map1}, {transform_indices = #map}]} {
    %mul3A = arith.constant 2 : i32
    %mul3A_0 = arith.muli %arg1, %mul3A : i32
    %add3A = arith.addi %mul3A_0, %arg0 : i32
    "tpu.region"() ({
      %run_scoped3A = tpu.sem_alloc : memref<!tpu.dma_semaphore, #tpu.memory_space<semaphore_mem>>
      %dma_start3A = arith.constant 0 : i32
      %dma_start3A_28 = arith.constant 0 : i32
      %dma_start3A_29 = tpu.memref_slice %arg2[%add3A, %dma_start3A, %dma_start3A_28] : memref<32x40x128xi32, #tpu.memory_space<hbm>> -> memref<1x40x128xi32, #tpu.memory_space<hbm>>
      %dma_start3A_30 = tpu.memref_squeeze %dma_start3A_29 : memref<1x40x128xi32, #tpu.memory_space<hbm>> -> memref<40x128xi32, #tpu.memory_space<hbm>>
      %dma_start3A_31 = arith.constant 0 : i32
      %dma_start3A_32 = arith.constant 0 : i32
      %dma_start3A_33 = tpu.memref_slice %arg2[%add3A, %dma_start3A_31, %dma_start3A_32] : memref<32x40x128xi32, #tpu.memory_space<hbm>> -> memref<1x40x128xi32, #tpu.memory_space<hbm>>
      %dma_start3A_34 = tpu.memref_squeeze %dma_start3A_33 : memref<1x40x128xi32, #tpu.memory_space<hbm>> -> memref<40x128xi32, #tpu.memory_space<hbm>>
      tpu.enqueue_dma source(%dma_start3A_34 : memref<40x128xi32, #tpu.memory_space<hbm>>) target(%arg6 : memref<40x128xi32, #tpu.memory_space<vmem>>) target_semaphore(%run_scoped3A : memref<!tpu.dma_semaphore, #tpu.memory_space<semaphore_mem>>)
      %dma_wait3A = arith.constant 0 : i32
      %dma_wait3A_35 = arith.constant 0 : i32
      %dma_wait3A_36 = tpu.memref_slice %arg2[%add3A, %dma_wait3A, %dma_wait3A_35] : memref<32x40x128xi32, #tpu.memory_space<hbm>> -> memref<1x40x128xi32, #tpu.memory_space<hbm>>
      %dma_wait3A_37 = tpu.memref_squeeze %dma_wait3A_36 : memref<1x40x128xi32, #tpu.memory_space<hbm>> -> memref<40x128xi32, #tpu.memory_space<hbm>>
      %dma_wait3A_38 = arith.constant 0 : i32
      %dma_wait3A_39 = arith.constant 0 : i32
      %dma_wait3A_40 = tpu.memref_slice %arg2[%add3A, %dma_wait3A_38, %dma_wait3A_39] : memref<32x40x128xi32, #tpu.memory_space<hbm>> -> memref<1x40x128xi32, #tpu.memory_space<hbm>>
      %dma_wait3A_41 = tpu.memref_squeeze %dma_wait3A_40 : memref<1x40x128xi32, #tpu.memory_space<hbm>> -> memref<40x128xi32, #tpu.memory_space<hbm>>
      tpu.wait_dma2 semaphore(%run_scoped3A : memref<!tpu.dma_semaphore, #tpu.memory_space<semaphore_mem>>) src(%dma_wait3A_41 : memref<40x128xi32, #tpu.memory_space<hbm>>) dst(%arg6 : memref<40x128xi32, #tpu.memory_space<vmem>>)
      tpu.yield
    }) : () -> ()
    "tpu.region"() ({
      %run_scoped3A = tpu.sem_alloc : memref<!tpu.dma_semaphore, #tpu.memory_space<semaphore_mem>>
      tpu.enqueue_dma source(%arg3 : memref<128x128xf32, #tpu.memory_space<hbm>>) target(%arg7 : memref<128x128xf32, #tpu.memory_space<vmem>>) target_semaphore(%run_scoped3A : memref<!tpu.dma_semaphore, #tpu.memory_space<semaphore_mem>>)
      tpu.wait_dma2 semaphore(%run_scoped3A : memref<!tpu.dma_semaphore, #tpu.memory_space<semaphore_mem>>) src(%arg3 : memref<128x128xf32, #tpu.memory_space<hbm>>) dst(%arg7 : memref<128x128xf32, #tpu.memory_space<vmem>>)
      tpu.yield
    }) : () -> ()
    %mul3A_1 = arith.constant 648 : i32
    %mul3A_2 = arith.muli %arg1, %mul3A_1 : i32
    "tpu.region"() ({
      %run_scoped3A = tpu.sem_alloc : memref<!tpu.dma_semaphore, #tpu.memory_space<semaphore_mem>>
      %dma_start3A = arith.constant 0 : i32
      %dma_start3A_28 = tpu.memref_slice %arg8[%mul3A_2, %dma_start3A] : memref<10368x128xf32, #tpu.memory_space<vmem_shared>> -> memref<648x128xf32, #tpu.memory_space<vmem_shared>>
      tpu.enqueue_dma source(%arg4 : memref<648x128xf32, #tpu.memory_space<hbm>>) target(%dma_start3A_28 : memref<648x128xf32, #tpu.memory_space<vmem_shared>>) target_semaphore(%run_scoped3A : memref<!tpu.dma_semaphore, #tpu.memory_space<semaphore_mem>>)
      %dma_wait3A = arith.constant 0 : i32
      %dma_wait3A_29 = tpu.memref_slice %arg8[%mul3A_2, %dma_wait3A] : memref<10368x128xf32, #tpu.memory_space<vmem_shared>> -> memref<648x128xf32, #tpu.memory_space<vmem_shared>>
      tpu.wait_dma2 semaphore(%run_scoped3A : memref<!tpu.dma_semaphore, #tpu.memory_space<semaphore_mem>>) src(%arg4 : memref<648x128xf32, #tpu.memory_space<hbm>>) dst(%dma_wait3A_29 : memref<648x128xf32, #tpu.memory_space<vmem_shared>>)
      tpu.yield
    }) : () -> ()
    %barrier3A = arith.constant 0 : index
    tpu.barrier barrier_id(%barrier3A)
    %scan3A = arith.constant 0 : i32
    %scan3A_3 = arith.constant 40 : i32
    %scan3A_4 = arith.addi %scan3A, %scan3A_3 : i32
    %scan3A_5 = arith.constant 1 : i32
    scf.for %scan3A_28 = %scan3A to %scan3A_4 step %scan3A_5  : i32 {
      "tpu.region"() ({
        %run_scoped3A = tpu.sem_alloc : memref<!tpu.dma_semaphore, #tpu.memory_space<semaphore_mem>>
        %dma_start3A = arith.constant 0 : i32
        %dma_start3A_29 = tpu.memref_slice %arg6[%scan3A_28, %dma_start3A] : memref<40x128xi32, #tpu.memory_space<vmem>> -> memref<1x128xi32, #tpu.memory_space<vmem>>
        %dma_start3A_30 = tpu.memref_squeeze %dma_start3A_29 : memref<1x128xi32, #tpu.memory_space<vmem>> -> memref<128xi32, #tpu.memory_space<vmem>>
        %dma_start3A_31 = arith.constant 0 : i32
        %dma_start3A_32 = arith.constant 0 : i32
        %dma_start3A_33 = tpu.memref_slice %arg8[%dma_start3A_31, %dma_start3A_32] : memref<10368x128xf32, #tpu.memory_space<vmem_shared>> -> memref<10368x128xf32, #tpu.memory_space<vmem_shared>>
        tpu.enqueue_indirect_dma source(%arg7 : memref<128x128xf32, #tpu.memory_space<vmem>>) target(%dma_start3A_33 : memref<10368x128xf32, #tpu.memory_space<vmem_shared>>) offsets(%dma_start3A_30 : memref<128xi32, #tpu.memory_space<vmem>>) semaphore(%run_scoped3A : memref<!tpu.dma_semaphore, #tpu.memory_space<semaphore_mem>>) {add = true}
        %dma_wait3A = arith.constant 0 : i32
        %dma_wait3A_34 = tpu.memref_slice %arg6[%scan3A_28, %dma_wait3A] : memref<40x128xi32, #tpu.memory_space<vmem>> -> memref<1x128xi32, #tpu.memory_space<vmem>>
        %dma_wait3A_35 = tpu.memref_squeeze %dma_wait3A_34 : memref<1x128xi32, #tpu.memory_space<vmem>> -> memref<128xi32, #tpu.memory_space<vmem>>
        %dma_wait3A_36 = arith.constant 0 : i32
        %dma_wait3A_37 = arith.constant 0 : i32
        %dma_wait3A_38 = tpu.memref_slice %arg8[%dma_wait3A_36, %dma_wait3A_37] : memref<10368x128xf32, #tpu.memory_space<vmem_shared>> -> memref<10368x128xf32, #tpu.memory_space<vmem_shared>>
        tpu.wait_indirect_dma semaphore(%run_scoped3A : memref<!tpu.dma_semaphore, #tpu.memory_space<semaphore_mem>>) src(%arg7 : memref<128x128xf32, #tpu.memory_space<vmem>>) dst(%dma_wait3A_38 : memref<10368x128xf32, #tpu.memory_space<vmem_shared>>)
        tpu.yield
      }) : () -> ()
    }
    %scan3A_6 = arith.constant 40 : i32
    %barrier3A_7 = arith.constant 0 : index
    tpu.barrier barrier_id(%barrier3A_7)
    %mul3A_8 = arith.constant 640 : i32
    %mul3A_9 = arith.muli %arg1, %mul3A_8 : i32
    %add3A_10 = arith.constant 0 : i32
    %add3A_11 = arith.addi %mul3A_9, %add3A_10 : i32
    "tpu.region"() ({
      %run_scoped3A = tpu.sem_alloc : memref<!tpu.dma_semaphore, #tpu.memory_space<semaphore_mem>>
      %dma_start3A = arith.constant 0 : i32
      %dma_start3A_28 = tpu.memref_slice %arg5[%arg0, %add3A_11, %dma_start3A] : memref<2x10240x128xf32, #tpu.memory_space<hbm>> -> memref<1x128x128xf32, #tpu.memory_space<hbm>>
      %dma_start3A_29 = tpu.memref_squeeze %dma_start3A_28 : memref<1x128x128xf32, #tpu.memory_space<hbm>> -> memref<128x128xf32, #tpu.memory_space<hbm>>
      %dma_start3A_30 = arith.constant 0 : i32
      %dma_start3A_31 = tpu.memref_slice %arg8[%add3A_11, %dma_start3A_30] : memref<10368x128xf32, #tpu.memory_space<vmem_shared>> -> memref<128x128xf32, #tpu.memory_space<vmem_shared>>
      tpu.enqueue_dma source(%dma_start3A_31 : memref<128x128xf32, #tpu.memory_space<vmem_shared>>) target(%dma_start3A_29 : memref<128x128xf32, #tpu.memory_space<hbm>>) target_semaphore(%run_scoped3A : memref<!tpu.dma_semaphore, #tpu.memory_space<semaphore_mem>>)
      %dma_wait3A = arith.constant 0 : i32
      %dma_wait3A_32 = tpu.memref_slice %arg5[%arg0, %add3A_11, %dma_wait3A] : memref<2x10240x128xf32, #tpu.memory_space<hbm>> -> memref<1x128x128xf32, #tpu.memory_space<hbm>>
      %dma_wait3A_33 = tpu.memref_squeeze %dma_wait3A_32 : memref<1x128x128xf32, #tpu.memory_space<hbm>> -> memref<128x128xf32, #tpu.memory_space<hbm>>
      %dma_wait3A_34 = arith.constant 0 : i32
      %dma_wait3A_35 = tpu.memref_slice %arg8[%add3A_11, %dma_wait3A_34] : memref<10368x128xf32, #tpu.memory_space<vmem_shared>> -> memref<128x128xf32, #tpu.memory_space<vmem_shared>>
      tpu.wait_dma2 semaphore(%run_scoped3A : memref<!tpu.dma_semaphore, #tpu.memory_space<semaphore_mem>>) src(%dma_wait3A_35 : memref<128x128xf32, #tpu.memory_space<vmem_shared>>) dst(%dma_wait3A_33 : memref<128x128xf32, #tpu.memory_space<hbm>>)
      tpu.yield
    }) : () -> ()
    %mul3A_12 = arith.constant 640 : i32
    %mul3A_13 = arith.muli %arg1, %mul3A_12 : i32
    %add3A_14 = arith.constant 128 : i32
    %add3A_15 = arith.addi %mul3A_13, %add3A_14 : i32
    "tpu.region"() ({
      %run_scoped3A = tpu.sem_alloc : memref<!tpu.dma_semaphore, #tpu.memory_space<semaphore_mem>>
      %dma_start3A = arith.constant 0 : i32
      %dma_start3A_28 = tpu.memref_slice %arg5[%arg0, %add3A_15, %dma_start3A] : memref<2x10240x128xf32, #tpu.memory_space<hbm>> -> memref<1x128x128xf32, #tpu.memory_space<hbm>>
      %dma_start3A_29 = tpu.memref_squeeze %dma_start3A_28 : memref<1x128x128xf32, #tpu.memory_space<hbm>> -> memref<128x128xf32, #tpu.memory_space<hbm>>
      %dma_start3A_30 = arith.constant 0 : i32
      %dma_start3A_31 = tpu.memref_slice %arg8[%add3A_15, %dma_start3A_30] : memref<10368x128xf32, #tpu.memory_space<vmem_shared>> -> memref<128x128xf32, #tpu.memory_space<vmem_shared>>
      tpu.enqueue_dma source(%dma_start3A_31 : memref<128x128xf32, #tpu.memory_space<vmem_shared>>) target(%dma_start3A_29 : memref<128x128xf32, #tpu.memory_space<hbm>>) target_semaphore(%run_scoped3A : memref<!tpu.dma_semaphore, #tpu.memory_space<semaphore_mem>>)
      %dma_wait3A = arith.constant 0 : i32
      %dma_wait3A_32 = tpu.memref_slice %arg5[%arg0, %add3A_15, %dma_wait3A] : memref<2x10240x128xf32, #tpu.memory_space<hbm>> -> memref<1x128x128xf32, #tpu.memory_space<hbm>>
      %dma_wait3A_33 = tpu.memref_squeeze %dma_wait3A_32 : memref<1x128x128xf32, #tpu.memory_space<hbm>> -> memref<128x128xf32, #tpu.memory_space<hbm>>
      %dma_wait3A_34 = arith.constant 0 : i32
      %dma_wait3A_35 = tpu.memref_slice %arg8[%add3A_15, %dma_wait3A_34] : memref<10368x128xf32, #tpu.memory_space<vmem_shared>> -> memref<128x128xf32, #tpu.memory_space<vmem_shared>>
      tpu.wait_dma2 semaphore(%run_scoped3A : memref<!tpu.dma_semaphore, #tpu.memory_space<semaphore_mem>>) src(%dma_wait3A_35 : memref<128x128xf32, #tpu.memory_space<vmem_shared>>) dst(%dma_wait3A_33 : memref<128x128xf32, #tpu.memory_space<hbm>>)
      tpu.yield
    }) : () -> ()
    %mul3A_16 = arith.constant 640 : i32
    %mul3A_17 = arith.muli %arg1, %mul3A_16 : i32
    %add3A_18 = arith.constant 256 : i32
    %add3A_19 = arith.addi %mul3A_17, %add3A_18 : i32
    "tpu.region"() ({
      %run_scoped3A = tpu.sem_alloc : memref<!tpu.dma_semaphore, #tpu.memory_space<semaphore_mem>>
      %dma_start3A = arith.constant 0 : i32
      %dma_start3A_28 = tpu.memref_slice %arg5[%arg0, %add3A_19, %dma_start3A] : memref<2x10240x128xf32, #tpu.memory_space<hbm>> -> memref<1x128x128xf32, #tpu.memory_space<hbm>>
      %dma_start3A_29 = tpu.memref_squeeze %dma_start3A_28 : memref<1x128x128xf32, #tpu.memory_space<hbm>> -> memref<128x128xf32, #tpu.memory_space<hbm>>
      %dma_start3A_30 = arith.constant 0 : i32
      %dma_start3A_31 = tpu.memref_slice %arg8[%add3A_19, %dma_start3A_30] : memref<10368x128xf32, #tpu.memory_space<vmem_shared>> -> memref<128x128xf32, #tpu.memory_space<vmem_shared>>
      tpu.enqueue_dma source(%dma_start3A_31 : memref<128x128xf32, #tpu.memory_space<vmem_shared>>) target(%dma_start3A_29 : memref<128x128xf32, #tpu.memory_space<hbm>>) target_semaphore(%run_scoped3A : memref<!tpu.dma_semaphore, #tpu.memory_space<semaphore_mem>>)
      %dma_wait3A = arith.constant 0 : i32
      %dma_wait3A_32 = tpu.memref_slice %arg5[%arg0, %add3A_19, %dma_wait3A] : memref<2x10240x128xf32, #tpu.memory_space<hbm>> -> memref<1x128x128xf32, #tpu.memory_space<hbm>>
      %dma_wait3A_33 = tpu.memref_squeeze %dma_wait3A_32 : memref<1x128x128xf32, #tpu.memory_space<hbm>> -> memref<128x128xf32, #tpu.memory_space<hbm>>
      %dma_wait3A_34 = arith.constant 0 : i32
      %dma_wait3A_35 = tpu.memref_slice %arg8[%add3A_19, %dma_wait3A_34] : memref<10368x128xf32, #tpu.memory_space<vmem_shared>> -> memref<128x128xf32, #tpu.memory_space<vmem_shared>>
      tpu.wait_dma2 semaphore(%run_scoped3A : memref<!tpu.dma_semaphore, #tpu.memory_space<semaphore_mem>>) src(%dma_wait3A_35 : memref<128x128xf32, #tpu.memory_space<vmem_shared>>) dst(%dma_wait3A_33 : memref<128x128xf32, #tpu.memory_space<hbm>>)
      tpu.yield
    }) : () -> ()
    %mul3A_20 = arith.constant 640 : i32
    %mul3A_21 = arith.muli %arg1, %mul3A_20 : i32
    %add3A_22 = arith.constant 384 : i32
    %add3A_23 = arith.addi %mul3A_21, %add3A_22 : i32
    "tpu.region"() ({
      %run_scoped3A = tpu.sem_alloc : memref<!tpu.dma_semaphore, #tpu.memory_space<semaphore_mem>>
      %dma_start3A = arith.constant 0 : i32
      %dma_start3A_28 = tpu.memref_slice %arg5[%arg0, %add3A_23, %dma_start3A] : memref<2x10240x128xf32, #tpu.memory_space<hbm>> -> memref<1x128x128xf32, #tpu.memory_space<hbm>>
      %dma_start3A_29 = tpu.memref_squeeze %dma_start3A_28 : memref<1x128x128xf32, #tpu.memory_space<hbm>> -> memref<128x128xf32, #tpu.memory_space<hbm>>
      %dma_start3A_30 = arith.constant 0 : i32
      %dma_start3A_31 = tpu.memref_slice %arg8[%add3A_23, %dma_start3A_30] : memref<10368x128xf32, #tpu.memory_space<vmem_shared>> -> memref<128x128xf32, #tpu.memory_space<vmem_shared>>
      tpu.enqueue_dma source(%dma_start3A_31 : memref<128x128xf32, #tpu.memory_space<vmem_shared>>) target(%dma_start3A_29 : memref<128x128xf32, #tpu.memory_space<hbm>>) target_semaphore(%run_scoped3A : memref<!tpu.dma_semaphore, #tpu.memory_space<semaphore_mem>>)
      %dma_wait3A = arith.constant 0 : i32
      %dma_wait3A_32 = tpu.memref_slice %arg5[%arg0, %add3A_23, %dma_wait3A] : memref<2x10240x128xf32, #tpu.memory_space<hbm>> -> memref<1x128x128xf32, #tpu.memory_space<hbm>>
      %dma_wait3A_33 = tpu.memref_squeeze %dma_wait3A_32 : memref<1x128x128xf32, #tpu.memory_space<hbm>> -> memref<128x128xf32, #tpu.memory_space<hbm>>
      %dma_wait3A_34 = arith.constant 0 : i32
      %dma_wait3A_35 = tpu.memref_slice %arg8[%add3A_23, %dma_wait3A_34] : memref<10368x128xf32, #tpu.memory_space<vmem_shared>> -> memref<128x128xf32, #tpu.memory_space<vmem_shared>>
      tpu.wait_dma2 semaphore(%run_scoped3A : memref<!tpu.dma_semaphore, #tpu.memory_space<semaphore_mem>>) src(%dma_wait3A_35 : memref<128x128xf32, #tpu.memory_space<vmem_shared>>) dst(%dma_wait3A_33 : memref<128x128xf32, #tpu.memory_space<hbm>>)
      tpu.yield
    }) : () -> ()
    %mul3A_24 = arith.constant 640 : i32
    %mul3A_25 = arith.muli %arg1, %mul3A_24 : i32
    %add3A_26 = arith.constant 512 : i32
    %add3A_27 = arith.addi %mul3A_25, %add3A_26 : i32
    "tpu.region"() ({
      %run_scoped3A = tpu.sem_alloc : memref<!tpu.dma_semaphore, #tpu.memory_space<semaphore_mem>>
      %dma_start3A = arith.constant 0 : i32
      %dma_start3A_28 = tpu.memref_slice %arg5[%arg0, %add3A_27, %dma_start3A] : memref<2x10240x128xf32, #tpu.memory_space<hbm>> -> memref<1x128x128xf32, #tpu.memory_space<hbm>>
      %dma_start3A_29 = tpu.memref_squeeze %dma_start3A_28 : memref<1x128x128xf32, #tpu.memory_space<hbm>> -> memref<128x128xf32, #tpu.memory_space<hbm>>
      %dma_start3A_30 = arith.constant 0 : i32
      %dma_start3A_31 = tpu.memref_slice %arg8[%add3A_27, %dma_start3A_30] : memref<10368x128xf32, #tpu.memory_space<vmem_shared>> -> memref<128x128xf32, #tpu.memory_space<vmem_shared>>
      tpu.enqueue_dma source(%dma_start3A_31 : memref<128x128xf32, #tpu.memory_space<vmem_shared>>) target(%dma_start3A_29 : memref<128x128xf32, #tpu.memory_space<hbm>>) target_semaphore(%run_scoped3A : memref<!tpu.dma_semaphore, #tpu.memory_space<semaphore_mem>>)
      %dma_wait3A = arith.constant 0 : i32
      %dma_wait3A_32 = tpu.memref_slice %arg5[%arg0, %add3A_27, %dma_wait3A] : memref<2x10240x128xf32, #tpu.memory_space<hbm>> -> memref<1x128x128xf32, #tpu.memory_space<hbm>>
      %dma_wait3A_33 = tpu.memref_squeeze %dma_wait3A_32 : memref<1x128x128xf32, #tpu.memory_space<hbm>> -> memref<128x128xf32, #tpu.memory_space<hbm>>
      %dma_wait3A_34 = arith.constant 0 : i32
      %dma_wait3A_35 = tpu.memref_slice %arg8[%add3A_27, %dma_wait3A_34] : memref<10368x128xf32, #tpu.memory_space<vmem_shared>> -> memref<128x128xf32, #tpu.memory_space<vmem_shared>>
      tpu.wait_dma2 semaphore(%run_scoped3A : memref<!tpu.dma_semaphore, #tpu.memory_space<semaphore_mem>>) src(%dma_wait3A_35 : memref<128x128xf32, #tpu.memory_space<vmem_shared>>) dst(%dma_wait3A_33 : memref<128x128xf32, #tpu.memory_space<hbm>>)
      tpu.yield
    }) : () -> ()
    return
  }
}

module attributes {stable_mosaic.version = 14 : i64} {
  func.func @_mlp_body(%arg0: i32, %arg1: memref<1000x128xf32, #tpu.memory_space<vmem>>, %arg2: memref<1000x128xf32, #tpu.memory_space<vmem>>, %arg3: memref<1000x256xf32, #tpu.memory_space<vmem>>, %arg4: memref<1000x1xf32, #tpu.memory_space<vmem>>, %arg5: memref<1000x1xf32, #tpu.memory_space<vmem>>, %arg6: memref<256x512xf32, #tpu.memory_space<vmem>>, %arg7: memref<1x512xf32, #tpu.memory_space<vmem>>, %arg8: memref<512x512xf32, #tpu.memory_space<vmem>>, %arg9: memref<1x512xf32, #tpu.memory_space<vmem>>, %arg10: memref<512x256xf32, #tpu.memory_space<vmem>>, %arg11: memref<1x256xf32, #tpu.memory_space<vmem>>, %arg12: memref<256x256xf32, #tpu.memory_space<vmem>>, %arg13: memref<1x256xf32, #tpu.memory_space<vmem>>, %arg14: memref<1000x256xf32, #tpu.memory_space<vmem>>, %arg15: memref<1000x256xf32, #tpu.memory_space<vmem>>) attributes {dimension_semantics = [#tpu.dimension_semantics<arbitrary>], iteration_bounds = array<i64: 10>, scalar_prefetch = 0 : i64, scratch_operands = 0 : i64, tpu.core_type = #tpu.core_type<tc>, window_params = [{transform_indices = @transform_0, window_bounds = array<i64: 1000, 128>}, {transform_indices = @transform_1, window_bounds = array<i64: 1000, 128>}, {transform_indices = @transform_2, window_bounds = array<i64: 1000, 256>}, {transform_indices = @transform_3, window_bounds = array<i64: 1000, 1>}, {transform_indices = @transform_4, window_bounds = array<i64: 1000, 1>}, {pipeline_mode = #tpu.pipeline_mode<synchronous>, transform_indices = @transform_5, window_bounds = array<i64: 256, 512>}, {pipeline_mode = #tpu.pipeline_mode<synchronous>, transform_indices = @transform_6, window_bounds = array<i64: 1, 512>}, {pipeline_mode = #tpu.pipeline_mode<synchronous>, transform_indices = @transform_7, window_bounds = array<i64: 512, 512>}, {pipeline_mode = #tpu.pipeline_mode<synchronous>, transform_indices = @transform_8, window_bounds = array<i64: 1, 512>}, {pipeline_mode = #tpu.pipeline_mode<synchronous>, transform_indices = @transform_9, window_bounds = array<i64: 512, 256>}, {pipeline_mode = #tpu.pipeline_mode<synchronous>, transform_indices = @transform_10, window_bounds = array<i64: 1, 256>}, {pipeline_mode = #tpu.pipeline_mode<synchronous>, transform_indices = @transform_11, window_bounds = array<i64: 256, 256>}, {pipeline_mode = #tpu.pipeline_mode<synchronous>, transform_indices = @transform_12, window_bounds = array<i64: 1, 256>}, {transform_indices = @transform_13, window_bounds = array<i64: 1000, 256>}, {transform_indices = @transform_14, window_bounds = array<i64: 1000, 256>}]} {
    %get3A = arith.constant 0 : index
    %get3A_0 = arith.constant 0 : index
    %get3A_1 = vector.load %arg3[%get3A, %get3A_0] : memref<1000x256xf32, #tpu.memory_space<vmem>>, vector<1000x256xf32>
    %get3A_2 = arith.constant 0 : index
    %get3A_3 = arith.constant 0 : index
    %get3A_4 = vector.load %arg1[%get3A_2, %get3A_3] : memref<1000x128xf32, #tpu.memory_space<vmem>>, vector<1000x128xf32>
    %get3A_5 = arith.constant 0 : index
    %get3A_6 = arith.constant 0 : index
    %get3A_7 = vector.load %arg2[%get3A_5, %get3A_6] : memref<1000x128xf32, #tpu.memory_space<vmem>>, vector<1000x128xf32>
    %concatenate3A = tpu.concatenate %get3A_4, %get3A_7 in 1 : vector<1000x128xf32>, vector<1000x128xf32> -> vector<1000x256xf32>
    %get3A_8 = arith.constant 0 : index
    %get3A_9 = arith.constant 0 : index
    %get3A_10 = vector.load %arg4[%get3A_8, %get3A_9] : memref<1000x1xf32, #tpu.memory_space<vmem>>, vector<1000x1xf32>
    %get3A_11 = arith.constant 0 : index
    %get3A_12 = arith.constant 0 : index
    %get3A_13 = vector.load %arg5[%get3A_11, %get3A_12] : memref<1000x1xf32, #tpu.memory_space<vmem>>, vector<1000x1xf32>
    %add3A = arith.addf %get3A_10, %get3A_13 : vector<1000x1xf32>
    %add3A_14 = arith.addf %concatenate3A, %get3A_1 : vector<1000x256xf32>
    %add3A_15 = arith.constant 1.000000e+00 : f32
    %add3A_16 = vector.broadcast %add3A_15 : f32 to vector<1000x1xf32>
    %add3A_17 = arith.addf %add3A, %add3A_16 : vector<1000x1xf32>
    %div3A = vector.broadcast %add3A_17 : vector<1000x1xf32> to vector<1000x256xf32>
    %div3A_18 = arith.divf %add3A_14, %div3A : vector<1000x256xf32>
    %get3A_19 = arith.constant 0 : index
    %get3A_20 = arith.constant 0 : index
    %get3A_21 = vector.load %arg6[%get3A_19, %get3A_20] : memref<256x512xf32, #tpu.memory_space<vmem>>, vector<256x512xf32>
    %dot_general3A = arith.constant dense<0.000000e+00> : vector<1000x512xf32>
    %dot_general3A_22 = tpu.matmul %div3A_18, %get3A_21, %dot_general3A {dimension_numbers = #tpu.dot_dimension_numbers<[1], [0], [0], [1], [0, 0, 1, 1], [], []>, precision = #tpu.contract_precision<fp32>, transpose_lhs_hint = false} : vector<1000x256xf32>, vector<256x512xf32>, vector<1000x512xf32> -> vector<1000x512xf32>
    %get3A_23 = arith.constant 0 : index
    %get3A_24 = arith.constant 0 : index
    %get3A_25 = vector.load %arg7[%get3A_23, %get3A_24] : memref<1x512xf32, #tpu.memory_space<vmem>>, vector<1x512xf32>
    %add3A_26 = vector.broadcast %get3A_25 : vector<1x512xf32> to vector<1000x512xf32>
    %add3A_27 = arith.addf %dot_general3A_22, %add3A_26 : vector<1000x512xf32>
    %ge3A = arith.constant 0.000000e+00 : f32
    %ge3A_28 = vector.broadcast %ge3A : f32 to vector<1000x512xf32>
    %ge3A_29 = arith.cmpf oge, %add3A_27, %ge3A_28 : vector<1000x512xf32>
    %mul3A = arith.constant 0.00999999977 : f32
    %mul3A_30 = vector.broadcast %mul3A : f32 to vector<1000x512xf32>
    %mul3A_31 = arith.mulf %mul3A_30, %add3A_27 : vector<1000x512xf32>
    %select_n3A = arith.select %ge3A_29, %add3A_27, %mul3A_31 : vector<1000x512xi1>, vector<1000x512xf32>
    %get3A_32 = arith.constant 0 : index
    %get3A_33 = arith.constant 0 : index
    %get3A_34 = vector.load %arg8[%get3A_32, %get3A_33] : memref<512x512xf32, #tpu.memory_space<vmem>>, vector<512x512xf32>
    %dot_general3A_35 = arith.constant dense<0.000000e+00> : vector<1000x512xf32>
    %dot_general3A_36 = tpu.matmul %select_n3A, %get3A_34, %dot_general3A_35 {dimension_numbers = #tpu.dot_dimension_numbers<[1], [0], [0], [1], [0, 0, 1, 1], [], []>, precision = #tpu.contract_precision<fp32>, transpose_lhs_hint = false} : vector<1000x512xf32>, vector<512x512xf32>, vector<1000x512xf32> -> vector<1000x512xf32>
    %get3A_37 = arith.constant 0 : index
    %get3A_38 = arith.constant 0 : index
    %get3A_39 = vector.load %arg9[%get3A_37, %get3A_38] : memref<1x512xf32, #tpu.memory_space<vmem>>, vector<1x512xf32>
    %add3A_40 = vector.broadcast %get3A_39 : vector<1x512xf32> to vector<1000x512xf32>
    %add3A_41 = arith.addf %dot_general3A_36, %add3A_40 : vector<1000x512xf32>
    %ge3A_42 = arith.constant 0.000000e+00 : f32
    %ge3A_43 = vector.broadcast %ge3A_42 : f32 to vector<1000x512xf32>
    %ge3A_44 = arith.cmpf oge, %add3A_41, %ge3A_43 : vector<1000x512xf32>
    %mul3A_45 = arith.constant 0.00999999977 : f32
    %mul3A_46 = vector.broadcast %mul3A_45 : f32 to vector<1000x512xf32>
    %mul3A_47 = arith.mulf %mul3A_46, %add3A_41 : vector<1000x512xf32>
    %select_n3A_48 = arith.select %ge3A_44, %add3A_41, %mul3A_47 : vector<1000x512xi1>, vector<1000x512xf32>
    %get3A_49 = arith.constant 0 : index
    %get3A_50 = arith.constant 0 : index
    %get3A_51 = vector.load %arg10[%get3A_49, %get3A_50] : memref<512x256xf32, #tpu.memory_space<vmem>>, vector<512x256xf32>
    %dot_general3A_52 = arith.constant dense<0.000000e+00> : vector<1000x256xf32>
    %dot_general3A_53 = tpu.matmul %select_n3A_48, %get3A_51, %dot_general3A_52 {dimension_numbers = #tpu.dot_dimension_numbers<[1], [0], [0], [1], [0, 0, 1, 1], [], []>, precision = #tpu.contract_precision<fp32>, transpose_lhs_hint = false} : vector<1000x512xf32>, vector<512x256xf32>, vector<1000x256xf32> -> vector<1000x256xf32>
    %get3A_54 = arith.constant 0 : index
    %get3A_55 = arith.constant 0 : index
    %get3A_56 = vector.load %arg11[%get3A_54, %get3A_55] : memref<1x256xf32, #tpu.memory_space<vmem>>, vector<1x256xf32>
    %add3A_57 = vector.broadcast %get3A_56 : vector<1x256xf32> to vector<1000x256xf32>
    %add3A_58 = arith.addf %dot_general3A_53, %add3A_57 : vector<1000x256xf32>
    %swap3A = arith.constant 0 : index
    %swap3A_59 = arith.constant 0 : index
    %swap3A_60 = vector.load %arg14[%swap3A, %swap3A_59] : memref<1000x256xf32, #tpu.memory_space<vmem>>, vector<1000x256xf32>
    tpu.vector_store %arg14[%swap3A, %swap3A_59], %add3A_58 {strides = array<i32>} : memref<1000x256xf32, #tpu.memory_space<vmem>>, vector<1000x256xf32>,
    %get3A_61 = arith.constant 0 : index
    %get3A_62 = arith.constant 0 : index
    %get3A_63 = vector.load %arg12[%get3A_61, %get3A_62] : memref<256x256xf32, #tpu.memory_space<vmem>>, vector<256x256xf32>
    %dot_general3A_64 = arith.constant dense<0.000000e+00> : vector<1000x256xf32>
    %dot_general3A_65 = tpu.matmul %get3A_1, %get3A_63, %dot_general3A_64 {dimension_numbers = #tpu.dot_dimension_numbers<[1], [0], [0], [1], [0, 0, 1, 1], [], []>, precision = #tpu.contract_precision<fp32>, transpose_lhs_hint = false} : vector<1000x256xf32>, vector<256x256xf32>, vector<1000x256xf32> -> vector<1000x256xf32>
    %get3A_66 = arith.constant 0 : index
    %get3A_67 = arith.constant 0 : index
    %get3A_68 = vector.load %arg13[%get3A_66, %get3A_67] : memref<1x256xf32, #tpu.memory_space<vmem>>, vector<1x256xf32>
    %add3A_69 = vector.broadcast %get3A_68 : vector<1x256xf32> to vector<1000x256xf32>
    %add3A_70 = arith.addf %dot_general3A_65, %add3A_69 : vector<1000x256xf32>
    %swap3A_71 = arith.constant 0 : index
    %swap3A_72 = arith.constant 0 : index
    %swap3A_73 = vector.load %arg15[%swap3A_71, %swap3A_72] : memref<1000x256xf32, #tpu.memory_space<vmem>>, vector<1000x256xf32>
    tpu.vector_store %arg15[%swap3A_71, %swap3A_72], %add3A_70 {strides = array<i32>} : memref<1000x256xf32, #tpu.memory_space<vmem>>, vector<1000x256xf32>,
    return
  }
  func.func @transform_0(%arg0: i32) -> (i32, i32) {
    %c0_i32 = arith.constant 0 : i32
    %c0_i32_0 = arith.constant 0 : i32
    return %arg0, %c0_i32 : i32, i32
  }
  func.func @transform_1(%arg0: i32) -> (i32, i32) {
    %c0_i32 = arith.constant 0 : i32
    %c0_i32_0 = arith.constant 0 : i32
    return %arg0, %c0_i32 : i32, i32
  }
  func.func @transform_2(%arg0: i32) -> (i32, i32) {
    %c0_i32 = arith.constant 0 : i32
    %c0_i32_0 = arith.constant 0 : i32
    return %arg0, %c0_i32 : i32, i32
  }
  func.func @transform_3(%arg0: i32) -> (i32, i32) {
    %c0_i32 = arith.constant 0 : i32
    %c0_i32_0 = arith.constant 0 : i32
    return %arg0, %c0_i32 : i32, i32
  }
  func.func @transform_4(%arg0: i32) -> (i32, i32) {
    %c0_i32 = arith.constant 0 : i32
    %c0_i32_0 = arith.constant 0 : i32
    return %arg0, %c0_i32 : i32, i32
  }
  func.func @transform_5(%arg0: i32) -> (i32, i32) {
    %c0_i32 = arith.constant 0 : i32
    %c0_i32_0 = arith.constant 0 : i32
    %c0_i32_1 = arith.constant 0 : i32
    return %c0_i32, %c0_i32_0 : i32, i32
  }
  func.func @transform_6(%arg0: i32) -> (i32, i32) {
    %c0_i32 = arith.constant 0 : i32
    %c0_i32_0 = arith.constant 0 : i32
    %c0_i32_1 = arith.constant 0 : i32
    return %c0_i32, %c0_i32_0 : i32, i32
  }
  func.func @transform_7(%arg0: i32) -> (i32, i32) {
    %c0_i32 = arith.constant 0 : i32
    %c0_i32_0 = arith.constant 0 : i32
    %c0_i32_1 = arith.constant 0 : i32
    return %c0_i32, %c0_i32_0 : i32, i32
  }
  func.func @transform_8(%arg0: i32) -> (i32, i32) {
    %c0_i32 = arith.constant 0 : i32
    %c0_i32_0 = arith.constant 0 : i32
    %c0_i32_1 = arith.constant 0 : i32
    return %c0_i32, %c0_i32_0 : i32, i32
  }
  func.func @transform_9(%arg0: i32) -> (i32, i32) {
    %c0_i32 = arith.constant 0 : i32
    %c0_i32_0 = arith.constant 0 : i32
    %c0_i32_1 = arith.constant 0 : i32
    return %c0_i32, %c0_i32_0 : i32, i32
  }
  func.func @transform_10(%arg0: i32) -> (i32, i32) {
    %c0_i32 = arith.constant 0 : i32
    %c0_i32_0 = arith.constant 0 : i32
    %c0_i32_1 = arith.constant 0 : i32
    return %c0_i32, %c0_i32_0 : i32, i32
  }
  func.func @transform_11(%arg0: i32) -> (i32, i32) {
    %c0_i32 = arith.constant 0 : i32
    %c0_i32_0 = arith.constant 0 : i32
    %c0_i32_1 = arith.constant 0 : i32
    return %c0_i32, %c0_i32_0 : i32, i32
  }
  func.func @transform_12(%arg0: i32) -> (i32, i32) {
    %c0_i32 = arith.constant 0 : i32
    %c0_i32_0 = arith.constant 0 : i32
    %c0_i32_1 = arith.constant 0 : i32
    return %c0_i32, %c0_i32_0 : i32, i32
  }
  func.func @transform_13(%arg0: i32) -> (i32, i32) {
    %c0_i32 = arith.constant 0 : i32
    %c0_i32_0 = arith.constant 0 : i32
    return %arg0, %c0_i32 : i32, i32
  }
  func.func @transform_14(%arg0: i32) -> (i32, i32) {
    %c0_i32 = arith.constant 0 : i32
    %c0_i32_0 = arith.constant 0 : i32
    return %arg0, %c0_i32 : i32, i32
  }
}

</mosaic_0001>

<sc_bundles>
// kernel: kernel.5.cloned.1.call-start
scs
__scs_entry_jumppad:
0x0: {  	(pc) =	sbr.rel $0x88, $3  }
0x1: {  	(tag) =	ssettag $0x0;
	lr =	simm.s32 $0x1  }
0x2: {  	[smem:$0x3F97] =	sst lr;
	_ =	strace $0xD0000000  }
0x3: {  	_ = 	snop  }
0x4: {  	_ = 	snop  }
0x5: {  	_ = 	snop  }
0x6: {  	_ = 	snop  }
0x7: {  	_ = 	snop  }
__scs_overlays_trampoline_lowered:
0x8: {  	[smem:$0x3FA6] =	sst s0  }
0x9: {  	[smem:$0x3FA7] =	sst s1  }
0xa: {  	[smem:$0x3FA8] =	sst s2  }
0xb: {  	[smem:$0x3FA9] =	sst s3  }
0xc: {  	[smem:$0x3FAA] =	sst s4  }
0xd: {  	[smem:$0x3FAB] =	sst s5  }
0xe: {  	[smem:$0x3FAC] =	sst s6  }
0xf: {  	[smem:$0x3FAD] =	sst s7  }
0x10: {  	[smem:$0x3FAE] =	sst s8  }
0x11: {  	[smem:$0x3FAF] =	sst s9;
	s0 =	simm.s32 @!p0 $0x0  }
0x12: {  	s1 =	sld [smem:$0x3F95];
	s0 =	simm.s32 @p0 $0x1  }
0x13: {  	[smem:$0x3FB0] =	sst s0;
	s0 =	simm.s32 @!p1 $0x0  }
0x14: {  	s2 =	sld [smem:$0x3F94];
	s0 =	simm.s32 @p1 $0x1  }
0x15: {  	[smem:$0x3FB1] =	sst s0;
	s0 =	simm.s32 @!p2 $0x0  }
0x16: {  	s3 =	sld [smem:$0x3FDB];
	s0 =	simm.s32 @p2 $0x1  }
0x17: {  	s4 =	simm.s32 $0x1BF5;
	[smem:$0x3FB3] =	sst s0  }
0x18: {  	s0 =	sld [smem:$0x3F96];
	_ =	swait.ge [sflag:s4], $0x0  }
0x19: {  	s7 =	sld [smem:$0x3F97]  }
0x1a: {  	s8 =	sadd.s32 $0xFFFFE003, lr  }
0x1b: {  	s9 =	sadd.s32 $0xFFFFFEF7, lr;
	s5 =	simm.s32 $0xFFFFFFFF;
	p2 =	slt.u32 s8, $0xFFFFF086  }
0x1c: {  	p1 =	slt.u32 s9, $0xF7A;
	s5 =	simm.s32 @!p2 $0x0  }
0x1d: {  	s5 =	simm.s32 @p1 $0x1;
	p0 =	seq.s32 s7, s2  }
0x1e: {  	s7 =	smul.u32 @!p0 $0xF7A, s2;
	p2 =	seq.s32 @!p0 s5, $0x0  }
0x1f: {  	s9 =	smul.u32 $0xF7A, s1;
	s8 =	simm.s32 @!p0 $0x1BF5;
	p2 =	por !p2, p0  }
0x20: {  	[sflag:s8] =	ssyncset.s32 @!p0 $0xFFFFF086;
	s6 =	sadd.s32 @!p0 s3, s7;
	s7 =	simm.s32 @!p0 $0x108  }
0x21: {  	s3 =	sadd.s32 s3, s9;
	s6 =	sadd.s32 @!p0 $0x88, s6;
	s7 =	simm.s32 @p2 $0x1082  }
0x22: {  	[simem:s7], [sflag:s8] =	dma.local @!p0 [hbm:s6], $0xF7A  }
0x23: {  	s9 =	sor.u32 $0xD0000000, s2;
	s6 =	simm.s32 $0x108;
	_ =	swait.ge @!p0 [sflag:s8], $0x0  }
0x24: {  	s3 =	sadd.s32 $0x88, s3;
	s6 =	simm.s32 @!p1 $0x1082;
	[sflag:s4] =	ssyncset.s32 $0xFFFFF086  }
0x25: {  	[simem:s6], [sflag:s4] =	dma.local [hbm:s3], $0xF7A  }
0x26: {  	[smem:$0x3F97] =	sst s1;
	(tag) =	ssettag s2;
	_ =	strace s9  }
0x27: {  	s1 =	sld [smem:$0x3FA7]  }
0x28: {  	s2 =	sld [smem:$0x3FA8]  }
0x29: {  	s4 =	sld [smem:$0x3FAA]  }
0x2a: {  	p0 =	seq.s32 s5, $0x0;
	s5 =	sld [smem:$0x3FAB]  }
0x2b: {  	s6 =	sld [smem:$0x3FAC]  }
0x2c: {  	s7 =	sld [smem:$0x3FAD]  }
0x2d: {  	s3 =	simm.s32 $0x108;
	s8 =	sld [smem:$0x3FAE]  }
0x2e: {  	s3 =	simm.s32 @!p0 $0x1082;
	s9 =	sld [smem:$0x3FAF]  }
0x2f: {  	lr =	sadd.s32 s0, s3;
	s0 =	sld [smem:$0x3FA6]  }
0x30: {  	s3 =	sld [smem:$0x3FA9]  }
0x31: {  	[smem:$0x3FB2] =	sst s10  }
0x32: {  	s10 =	sld [smem:$0x3FB0];
	_ =	sdelay $0x3  }
0x33: {  	p0 =	seq.s32 s10, $0x1;
	s10 =	sld [smem:$0x3FB2];
	_ =	sdelay $0x3  }
0x34: {  	[smem:$0x3FB2] =	sst s10  }
0x35: {  	s10 =	sld [smem:$0x3FB1];
	_ =	sdelay $0x3  }
0x36: {  	p1 =	seq.s32 s10, $0x1;
	s10 =	sld [smem:$0x3FB2];
	_ =	sdelay $0x3  }
0x37: {  	[smem:$0x3FB2] =	sst s10  }
0x38: {  	s10 =	sld [smem:$0x3FB3]  }
0x39: {  	_ = 	snop;
	(pc) =	sbr.ind lr, $3  }
0x3a: {  	_ = 	snop  }
0x3b: {  	_ = 	snop  }
0x3c: {  	p2 =	seq.s32 s10, $0x1;
	s10 =	sld [smem:$0x3FB2]  }
0x3d: {  	_ =	shalt  }
0x3e: {  	_ =	shalt  }
0x3f: {  	_ =	shalt  }
0x40: {  	_ =	shalt  }
0x41: {  	_ =	shalt  }
0x42: {  	_ =	shalt  }
0x43: {  	_ =	shalt  }
0x44: {  	_ =	shalt  }
0x45: {  	_ =	shalt  }
0x46: {  	_ =	shalt  }
0x47: {  	_ =	shalt  }
0x48: {  	_ =	shalt  }
0x49: {  	_ =	shalt  }
0x4a: {  	_ =	shalt  }
0x4b: {  	_ =	shalt  }
0x4c: {  	_ =	shalt  }
0x4d: {  	_ =	shalt  }
0x4e: {  	_ =	shalt  }
0x4f: {  	_ =	shalt  }
0x50: {  	_ =	shalt  }
0x51: {  	_ =	shalt  }
0x52: {  	_ =	shalt  }
0x53: {  	_ =	shalt  }
0x54: {  	_ =	shalt  }
0x55: {  	_ =	shalt  }
0x56: {  	_ =	shalt  }
0x57: {  	_ =	shalt  }
0x58: {  	_ =	shalt  }
0x59: {  	_ =	shalt  }
0x5a: {  	_ =	shalt  }
0x5b: {  	_ =	shalt  }
0x5c: {  	_ =	shalt  }
0x5d: {  	_ =	shalt  }
0x5e: {  	_ =	shalt  }
0x5f: {  	_ =	shalt  }
0x60: {  	_ =	shalt  }
0x61: {  	_ =	shalt  }
0x62: {  	_ =	shalt  }
0x63: {  	_ =	shalt  }
0x64: {  	_ =	shalt  }
0x65: {  	_ =	shalt  }
0x66: {  	_ =	shalt  }
0x67: {  	_ =	shalt  }
0x68: {  	_ =	shalt  }
0x69: {  	_ =	shalt  }
0x6a: {  	_ =	shalt  }
0x6b: {  	_ =	shalt  }
0x6c: {  	_ =	shalt  }
0x6d: {  	_ =	shalt  }
0x6e: {  	_ =	shalt  }
0x6f: {  	_ =	shalt  }
0x70: {  	_ =	shalt  }
0x71: {  	_ =	shalt  }
0x72: {  	_ =	shalt  }
0x73: {  	_ =	shalt  }
0x74: {  	_ =	shalt  }
0x75: {  	_ =	shalt  }
0x76: {  	_ =	shalt  }
0x77: {  	_ =	shalt  }
0x78: {  	_ =	shalt  }
0x79: {  	_ =	shalt  }
0x7a: {  	_ =	shalt  }
0x7b: {  	_ =	shalt  }
0x7c: {  	_ =	shalt  }
0x7d: {  	_ =	shalt  }
0x7e: {  	_ =	shalt  }
0x7f: {  	_ =	shalt  }
0x80: {  	_ =	shalt  }
0x81: {  	_ =	shalt  }
0x82: {  	_ =	shalt  }
0x83: {  	_ =	shalt  }
0x84: {  	_ =	shalt  }
0x85: {  	_ =	shalt  }
0x86: {  	_ =	shalt  }
0x87: {  	_ =	shalt  }
.Lfunc_end0:
.L_simem_size_0:
called_computation_lowered:
.L_overlay_start_0:
0x88: {  	s2 =	sld [smem:$0x3FD9]  }
0x89: {  	s3 =	sld [smem:$0x3FFE];
	_ =	sdelay $0x1  }
0x8a: {  	s1 =	srdreg.scid  }
0x8b: {  	s0 =	sand.u32 $0x1, s1  }
0x8c: {  	s14 =	sshll.u32 s0, $0xA;
	s2 =	sadd.s32 s3, s2  }
0x8d: {  	s2 =	sadd.s32 s2, s14  }
0x8e: {  	[smem:$0x3FBE] =	sst s2  }
0x8f: {  	_ = 	snop  }
0x90: {  	s2 =	sld [smem:$0x3FD0];
	_ =	sdelay $0x2  }
0x91: {  	s15 =	simm.s32 $0xB;
	s4 =	simm.s32 $0x10  }
0x92: {  	[smem:s4], [sflag:s15] =	dma.local [hbm:s2], $0x1  }
0x93: {  	_ =	swait.eq [sflag:s15], $0x1  }
0x94: {  	[sflag:s15] =	ssyncset.done $0x0  }
0x95: {  	s16 =	sld [smem:$0x10];
	[sflag:s15] =	ssyncadd.s32 $0xFFFFFFFF  }
0x96: {  	s17 =	sld [smem:$0x11];
	(tm) =	ssettm $0x1  }
0x97: {  	s18 =	sld [smem:$0x3FFB];
	_ =	sdelay $0x3  }
0x98: {  	_ =	strace s18  }
0x99: {  	s4 =	sld [smem:$0x3FFC];
	_ =	sdelay $0x3  }
0x9a: {  	_ =	strace s4  }
0x9b: {  	s4 =	sld [smem:$0x3FFD];
	_ =	sdelay $0x3  }
0x9c: {  	_ =	strace s4  }
0x9d: {  	_ =	strace $0x8FFFFFFF  }
0x9e: {  	s19 =	sld [smem:$0x3FDB];
	_ =	sdelay $0x1  }
0x9f: {  	s5 =	simm.s32 $_scs_section_size  }
0xa0: {  	s6 =	simm.s32 $_size__tile_overlayer_lowered;
	s7 =	simm.s32 $_tile_overlayer_lowered  }
0xa1: {  	s22 =	simm.s32 $0x1BFF;
	s21 =	sshll.u32 s7, $0x1;
	s4 =	sadd.s32 s5, s19  }
0xa2: {  	s8 =	simm.s32 $0x0;
	s20 =	sshll.u32 s6, $0x1;
	s6 =	sadd.s32 s21, s4  }
0xa3: {  	[timem:s8], [sflag:s22] =	dma.local [hbm:s6], s20  }
0xa4: {  	_ =	swait.ge [sflag:s22], s20  }
0xa5: {  	s5 =	ssub.s32 $0x0, s20;
	[sflag:s22] =	ssyncset.done $0x0  }
0xa6: {  	[sflag:s22] =	ssyncadd.s32 s5;
	_ =	sdelay $0x1  }
0xa7: {  	s23 =	simm.s32 $0x1B8B  }
0xa8: {  	_ =	swait.ge [sflag:s23], $0x1  }
0xa9: {  	[sflag:s23] =	ssyncset.done $0x0  }
0xaa: {  	s25 =	simm.s32 $0x1B8E;
	s24 =	sld [smem:$0x3FFE];
	[sflag:s23] =	ssyncadd.s32 $0xFFFFFFFF  }
0xab: {  	s26 =	simm.s32 $execute0_lowered;
	[smem:$0x3FD2] =	sst s25  }
0xac: {  	s6 =	sshll.u32 s26, $0x1;
	_ =	strace $0x80000046;
	[dreg:$0x1] =	wrdreg $0xFFFFFFFF  }
0xad: {  	s28 =	simm.s32 $_size_execute0_lowered;
	s4 =	sadd.s32 s4, s6;
	[dreg:$0x0] =	wrdreg $0x0  }
0xae: {  	s6 =	sshll.u32 s28, $0x1;
	[dreg:$0x2] =	wrdreg s4  }
0xaf: {  	[dreg:$0x3] =	wrdreg s6  }
0xb0: {  	[dreg:$0x4] =	wrdreg $0xC0  }
0xb1: {  	_ =	task [dreg:s8], $0x5FFFF  }
0xb2: {  	[dreg:$0x1] =	wrdreg $0xFFFFFFFF  }
0xb3: {  	[dreg:$0x0] =	wrdreg $0x60  }
0xb4: {  	[dreg:$0x2] =	wrdreg s17  }
0xb5: {  	[dreg:$0x3] =	wrdreg s16  }
0xb6: {  	[dreg:$0x4] =	wrdreg s24  }
0xb7: {  	[dreg:$0x5] =	wrdreg $0x90000  }
0xb8: {  	[dreg:$0x6] =	wrdreg $0x9  }
0xb9: {  	_ =	task.clear_ibuf [dreg:s8], $0x7FFFF;
	_ =	strace $0x90000046  }
0xba: {  	s29 =	simm.s32 $0x9;
	_ =	strace $0x80000048  }
0xbb: {  	_ =	swait.ge [sflag:s29], $0x1  }
0xbc: {  	[sflag:s29] =	ssyncadd.s32 $0xFFFFFFFF  }
0xbd: {  	_ =	strace $0x90000048  }
0xbe: {  	_ =	sfence  }
0xbf: {  	s30 =	sld [smem:$0x0];
	_ =	sdelay $0x2  }
0xc0: {  	s31 =	sshll.u32 s1, $0xD;
	s1 =	sshrl.u32 s1, $0x2  }
0xc1: {  	s3 =	sand.u32 $0x4000, s31;
	s1 =	sadd.s32 s1, s30  }
0xc2: {  	s0 =	sor.u32 s3, s0;
	s1 =	sshll.u32 s1, $0x11  }
0xc3: {  	s0 =	sor.u32 s1, s0  }
0xc4: {  	s0 =	sadd.s32 $0x8F2B, s0  }
0xc5: {  	[sflag:s0] =	ssyncadd.remote.s32 $0x1  }
0xc6: {  	_ =	sfence.sel $0xFFFF  }
0xc7: {  	[dreg:$0x0] =	wrdreg $0xFFFFFFFF;
	(pc) =	sbr.abs _section_cstart, $3  }
0xc8: {  	[dreg:$0x1] =	wrdreg $0xFFFFFFFF  }
0xc9: {  	_ =	task.clear_ibuf [dreg:s8], $0x2FFFF;
	_ =	strace $0x9FFFFFFF  }
0xca: {  	(tm) =	ssettm $0x7FFFFFFF  }
0xcb: {  	_ =	shalt  }
tec
execute0_lowered:
.L_overlay_start_1:
0x0: {  	(tag) =	ssettag $0x1  }
0x1: {  	s1 =	rddreg [dreg:$0x0]  }
0x2: {  	s6 =	rddreg [dreg:$0x1]  }
0x3: {  	s7 =	rddreg [dreg:$0x2];
	s3 =	srdreg.scid  }
0x4: {  	s2 =	rddreg [dreg:$0x3];
	s8 =	sand.u32 $0x1, s3;
	s3 =	stileid.u32  }
0x5: {  	s0 =	rddreg [dreg:$0x4];
	s4 =	simm.s32 $0x0;
	s9 =	smul.u32 $0x500, s3  }
0x6: {  	[smem:$0x7FF] =	sst s4;
	s12 =	smul.u32 $0x51000, s3  }
0x7: {  	s15 =	sadd.s32 $0x9000, s7;
	s5 =	sshll.u32 s8, $0x4;
	s14 =	smul.u32 $0x140000, s8  }
0x8: {  	_ =	strace $0x80000047;
	s11 =	ssub.s32 $0x2, s8;
	s21 =	smul.u32 $0x14000, s3  }
0x9: {  	s24 =	smul.u32 $0x50000, s3;
	s5 =	sor.u32 s3, s5;
	s13 =	sshrl.u32 s11, $0x1  }
0xa: {  	s10 =	smul.u32 $0x500, s5;
	s9 =	sadd.s32 s9, s7;
	s5 =	sadd.s32 $0x6600, s7  }
0xb: {  	s13 =	ssub.s32 s11, s13;
	s22 =	sshrl.u32 s12, $0x2;
	s23 =	sadd.s32 s21, s14  }
0xc: {  	s25 =	sadd.s32 $0x4000, s21;
	s17 =	sadd.s32 $0x8000, s21;
	s30 =	sadd.s32 $0xC000, s21  }
0xd: {  	s21 =	sadd.s32 $0x10000, s21;
	s7 =	sadd.s32 $0x1600, s9;
	s16 =	sadd.s32 s22, s2  }
0xe: {  	s26 =	sshrl.u32 s23, $0x3;
	s28 =	sadd.s32 s14, s25;
	s20 =	sadd.s32 s25, s2  }
0xf: {  	s29 =	sadd.s32 s14, s17;
	s18 =	sadd.s32 s14, s30;
	s14 =	sadd.s32 s14, s21  }
0x10: {  	s22 =	sadd.s32 s17, s2;
	s23 =	sadd.s32 s30, s2;
	s13 =	smax.u32 s13, $0x1  }
0x11: {  	s17 =	simm.s32 $0x80;
	s6 =	sadd.s32 s6, s10;
	s8 =	sadd.s32 s15, s26  }
0x12: {  	s10 =	sshrl.u32 s24, $0x2;
	s9 =	sshrl.u32 s28, $0x3;
	s31 =	sshrl.u32 s18, $0x3  }
0x13: {  	s14 =	sshrl.u32 s14, $0x3;
	s24 =	sadd.s32 s21, s2;
	s16 =	sshrl.u32 s16, $0x3  }
0x14: {  	s18 =	simm.s32 $0x5000;
	s20 =	sshrl.u32 s20, $0x3;
	s21 =	sshrl.u32 s22, $0x3  }
0x15: {  	s22 =	sshrl.u32 s23, $0x3;
	s19 =	sadd.s32 s10, s2;
	s9 =	sadd.s32 s15, s9  }
0x16: {  	s10 =	sshrl.u32 s29, $0x3;
	s11 =	sadd.s32 s15, s31;
	s12 =	sadd.s32 s15, s14  }
0x17: {  	s14 =	simm.s32 $0x1;
	s23 =	sshrl.u32 s24, $0x3;
	s24 =	simm.s32 $0x0  }
0x18: {  	s10 =	sadd.s32 s15, s10;
	s15 =	simm.s32 $0x2800;
	s19 =	sshrl.u32 s19, $0x3  }
.LBB2_1:
0x19: {  	[tilespmem:s4], [sflag:$0x1] =	stream.linear.gather [hbm4b:s6+s4], $0x2800, $0x38;
	[tilespmem:$0x1D400] =	vst v63  }
0x1a: {  	_ =	swait.ge [sflag:s14], $0x2800  }
0x1b: {  	[sflag:s14] =	ssyncset.done $0x0  }
0x1c: {  	[sflag:s14] =	ssyncadd.s32 $0xFFFFD800  }
0x1d: {  	[tilespmem:s15], [sflag:$0x1] =	stream.linear.gather [hbm4b:s7+s4], $0x2800, $0x38;
	[tilespmem:$0x1D400] =	vst v63  }
0x1e: {  	_ =	swait.ge [sflag:s14], $0x2800  }
0x1f: {  	s25 =	sshll.u32 s3, $0x6;
	[sflag:s14] =	ssyncset.done $0x0  }
0x20: {  	s25 =	sor.u32 $0x1C01, s25;
	[sflag:s14] =	ssyncadd.s32 $0xFFFFD800  }
0x21: {  	[spmem:s16], [sflag:s25] =	dma.local [hbm:s5], $0x2880  }
0x22: {  	_ =	swait.ge [sflag:s14], $0x2880  }
0x23: {  	[sflag:s14] =	ssyncset.done $0x0  }
0x24: {  	[sflag:s14] =	ssyncadd.s32 $0xFFFFD780  }
0x25: {  	s26 =	simm.s32 $0x0;
	[bflag:$0x0] =	sbarrier.arrive $0xFFFF  }
0x26: {  	[tilespmem:s18], [sflag:$0x1] =	stream.indirect.gather [hbm4b:s1+s17], $0x80, s26, s17, $0xb8;
	[tilespmem:$0x1D400] =	vst v63  }
0x27: {  	_ =	swait.ge [sflag:s14], $0x4000  }
0x28: {  	[sflag:s14] =	ssyncset.done $0x0  }
0x29: {  	s31 =	simm.s32 $0x2800;
	[sflag:s14] =	ssyncadd.s32 $0xFFFFC000  }
0x2a: {  	[spmem:s2] =	stream.indirect.scatter.add.f32 [tilespmem:s18], [sflag:$0x1], $0x80, s31, s17, $0xb8;
	[tilespmem:$0x1D400] =	vst v63  }
0x2b: {  	_ =	swait.ge [sflag:s14], $0x4000  }
0x2c: {  	s28 =	simm.s32 $0x400;
	s26 =	simm.s32 $0x200;
	[sflag:s14] =	ssyncset.done $0x0  }
.LBB2_2:
0x2d: {  	s29 =	sshra.s32 s26, $0x2  }
0x2e: {  	[sflag:s14] =	ssyncadd.s32 $0xFFFFC000;
	s26 =	smov.u32 s28;
	s30 =	sadd.s32 $0x200, s28  }
0x2f: {  	[tilespmem:s18], [sflag:$0x1] =	stream.indirect.gather [hbm4b:s1+s17], $0x80, s29, s17, $0xb8;
	[tilespmem:$0x1D400] =	vst v63  }
0x30: {  	p0 =	sne.s32 s28, $0x9E00;
	_ =	swait.ge [sflag:s14], $0x4000  }
.Ltmp0:
0x31: {  	[sflag:s14] =	ssyncset.done $0x0;
	(pc) =	sbr.rel @p0 .LBB2_2-.Ltmp0, $4  }
0x32: {  	s28 =	sadd.s32 $0x2800, s29;
	[sflag:s14] =	ssyncadd.s32 $0xFFFFC000  }
0x33: {  	[spmem:s2] =	stream.indirect.scatter.add.f32 [tilespmem:s18], [sflag:$0x1], $0x80, s28, s17, $0xb8;
	[tilespmem:$0x1D400] =	vst v63  }
0x34: {  	_ =	swait.ge [sflag:s14], $0x4000  }
0x35: {  	s28 =	smov.u32 s30;
	[sflag:s14] =	ssyncset.done $0x0  }
0x36: {  	s26 =	sshra.s32 s26, $0x2;
	[sflag:s14] =	ssyncadd.s32 $0xFFFFC000  }
0x37: {  	[tilespmem:s18], [sflag:$0x1] =	stream.indirect.gather [hbm4b:s1+s17], $0x80, s26, s17, $0xb8;
	[tilespmem:$0x1D400] =	vst v63  }
0x38: {  	_ =	swait.ge [sflag:s14], $0x4000  }
0x39: {  	[sflag:s14] =	ssyncset.done $0x0  }
0x3a: {  	s26 =	sadd.s32 $0x2800, s26;
	[sflag:s14] =	ssyncadd.s32 $0xFFFFC000  }
0x3b: {  	[spmem:s2] =	stream.indirect.scatter.add.f32 [tilespmem:s18], [sflag:$0x1], $0x80, s26, s17, $0xb8;
	[tilespmem:$0x1D400] =	vst v63  }
0x3c: {  	_ =	swait.ge [sflag:s14], $0x4000  }
0x3d: {  	[sflag:s14] =	ssyncset.done $0x0  }
0x3e: {  	[sflag:s14] =	ssyncadd.s32 $0xFFFFC000  }
0x3f: {  	[bflag:$0x0] =	sbarrier.arrive $0xFFFF  }
0x40: {  	[hbm:s8], [sflag:s25] =	dma.local [spmem:s19], $0x800  }
0x41: {  	_ =	swait.ge [sflag:s14], $0x800  }
0x42: {  	[sflag:s14] =	ssyncset.done $0x0  }
0x43: {  	[sflag:s14] =	ssyncadd.s32 $0xFFFFF800  }
0x44: {  	[hbm:s9], [sflag:s25] =	dma.local [spmem:s20], $0x800  }
0x45: {  	_ =	swait.ge [sflag:s14], $0x800  }
0x46: {  	[sflag:s14] =	ssyncset.done $0x0  }
0x47: {  	[sflag:s14] =	ssyncadd.s32 $0xFFFFF800  }
0x48: {  	[hbm:s10], [sflag:s25] =	dma.local [spmem:s21], $0x800  }
0x49: {  	_ =	swait.ge [sflag:s14], $0x800  }
0x4a: {  	[sflag:s14] =	ssyncset.done $0x0  }
0x4b: {  	[sflag:s14] =	ssyncadd.s32 $0xFFFFF800  }
0x4c: {  	[hbm:s11], [sflag:s25] =	dma.local [spmem:s22], $0x800  }
0x4d: {  	s24 =	sadd.s32 $0x1, s24;
	_ =	swait.ge [sflag:s14], $0x800  }
0x4e: {  	p0 =	sne.s32 s24, s13;
	[sflag:s14] =	ssyncset.done $0x0  }
.Ltmp1:
0x4f: {  	[sflag:s14] =	ssyncadd.s32 $0xFFFFF800;
	(pc) =	sbr.rel @p0 .LBB2_1-.Ltmp1, $4  }
0x50: {  	[hbm:s12], [sflag:s25] =	dma.local [spmem:s23], $0x800  }
0x51: {  	_ =	swait.ge [sflag:s14], $0x800  }
0x52: {  	[sflag:s14] =	ssyncset.done $0x0  }
0x53: {  	[sflag:s14] =	ssyncadd.s32 $0xFFFFF800  }
0x54: {  	_ =	sfence.sel $0x180000  }
0x55: {  	[bflag:$0x0] =	sbarrier.arrive $0xFFFF  }
0x56: {  	p0 =	sne.s32 s3, $0x0;
	_ =	strace $0x90000047  }
0x57: {  	s0 =	sadd.s32 @!p0 $0x100000, s0;
	[bflag:$0x2] =	sbarrier.arrive $0xFFFF  }
0x58: {  	[sflag:s0] =	ssyncadd.tile.s32 @!p0 $0x1;
	_ =	shalt  }
.Lfunc_end2:
_tile_overlayer_lowered:
.L_overlay_start_2:
0x59: {  	(tag) =	ssettag $0x2  }
0x5a: {  	s0 =	rddreg [dreg:$0x0];
	s2 =	stileid.u32  }
0x5b: {  	s1 =	rddreg [dreg:$0x1];
	p0 =	sne.s32 s2, $0x0  }
0x5c: {  	s3 =	rddreg [dreg:$0x2];
	[bflag:$0x3] =	sbarrier.arrive $0xFFFF;
	s2 =	simm.s32 @!p0 $0x1C01  }
0x5d: {  	[timem:s3], [sflag:s2] =	dma.local @!p0 [hbm:s0], s1  }
0x5e: {  	s0 =	simm.s32 @!p0 $0x1  }
0x5f: {  	_ =	swait.ge @!p0 [sflag:s0], s1  }
0x60: {  	s1 =	ssub.s32 @!p0 $0x0, s1;
	[sflag:s0] =	ssyncset.done @!p0 $0x0  }
0x61: {  	[sflag:s0] =	ssyncadd.s32 @!p0 s1  }
0x62: {  	[bflag:$0x3] =	sbarrier.arrive $0xFFFF  }
0x63: {  	_ =	shalt  }

// kernel: kernel.8.cloned.1.call-start
scs
__scs_entry_jumppad:
0x0: {  	(pc) =	sbr.rel $0x88, $3  }
0x1: {  	(tag) =	ssettag $0x0;
	lr =	simm.s32 $0x1  }
0x2: {  	[smem:$0x3F97] =	sst lr;
	_ =	strace $0xD0000000  }
0x3: {  	_ = 	snop  }
0x4: {  	_ = 	snop  }
0x5: {  	_ = 	snop  }
0x6: {  	_ = 	snop  }
0x7: {  	_ = 	snop  }
__scs_overlays_trampoline_lowered:
0x8: {  	[smem:$0x3FA6] =	sst s0  }
0x9: {  	[smem:$0x3FA7] =	sst s1  }
0xa: {  	[smem:$0x3FA8] =	sst s2  }
0xb: {  	[smem:$0x3FA9] =	sst s3  }
0xc: {  	[smem:$0x3FAA] =	sst s4  }
0xd: {  	[smem:$0x3FAB] =	sst s5  }
0xe: {  	[smem:$0x3FAC] =	sst s6  }
0xf: {  	[smem:$0x3FAD] =	sst s7  }
0x10: {  	[smem:$0x3FAE] =	sst s8  }
0x11: {  	[smem:$0x3FAF] =	sst s9;
	s0 =	simm.s32 @!p0 $0x0  }
0x12: {  	s1 =	sld [smem:$0x3F95];
	s0 =	simm.s32 @p0 $0x1  }
0x13: {  	[smem:$0x3FB0] =	sst s0;
	s0 =	simm.s32 @!p1 $0x0  }
0x14: {  	s2 =	sld [smem:$0x3F94];
	s0 =	simm.s32 @p1 $0x1  }
0x15: {  	[smem:$0x3FB1] =	sst s0;
	s0 =	simm.s32 @!p2 $0x0  }
0x16: {  	s3 =	sld [smem:$0x3FDB];
	s0 =	simm.s32 @p2 $0x1  }
0x17: {  	s4 =	simm.s32 $0x1BF5;
	[smem:$0x3FB3] =	sst s0  }
0x18: {  	s0 =	sld [smem:$0x3F96];
	_ =	swait.ge [sflag:s4], $0x0  }
0x19: {  	s7 =	sld [smem:$0x3F97]  }
0x1a: {  	s8 =	sadd.s32 $0xFFFFE003, lr  }
0x1b: {  	s9 =	sadd.s32 $0xFFFFFEF7, lr;
	s5 =	simm.s32 $0xFFFFFFFF;
	p2 =	slt.u32 s8, $0xFFFFF086  }
0x1c: {  	p1 =	slt.u32 s9, $0xF7A;
	s5 =	simm.s32 @!p2 $0x0  }
0x1d: {  	s5 =	simm.s32 @p1 $0x1;
	p0 =	seq.s32 s7, s2  }
0x1e: {  	s7 =	smul.u32 @!p0 $0xF7A, s2;
	p2 =	seq.s32 @!p0 s5, $0x0  }
0x1f: {  	s9 =	smul.u32 $0xF7A, s1;
	s8 =	simm.s32 @!p0 $0x1BF5;
	p2 =	por !p2, p0  }
0x20: {  	[sflag:s8] =	ssyncset.s32 @!p0 $0xFFFFF086;
	s6 =	sadd.s32 @!p0 s3, s7;
	s7 =	simm.s32 @!p0 $0x108  }
0x21: {  	s3 =	sadd.s32 s3, s9;
	s6 =	sadd.s32 @!p0 $0x88, s6;
	s7 =	simm.s32 @p2 $0x1082  }
0x22: {  	[simem:s7], [sflag:s8] =	dma.local @!p0 [hbm:s6], $0xF7A  }
0x23: {  	s9 =	sor.u32 $0xD0000000, s2;
	s6 =	simm.s32 $0x108;
	_ =	swait.ge @!p0 [sflag:s8], $0x0  }
0x24: {  	s3 =	sadd.s32 $0x88, s3;
	s6 =	simm.s32 @!p1 $0x1082;
	[sflag:s4] =	ssyncset.s32 $0xFFFFF086  }
0x25: {  	[simem:s6], [sflag:s4] =	dma.local [hbm:s3], $0xF7A  }
0x26: {  	[smem:$0x3F97] =	sst s1;
	(tag) =	ssettag s2;
	_ =	strace s9  }
0x27: {  	s1 =	sld [smem:$0x3FA7]  }
0x28: {  	s2 =	sld [smem:$0x3FA8]  }
0x29: {  	s4 =	sld [smem:$0x3FAA]  }
0x2a: {  	p0 =	seq.s32 s5, $0x0;
	s5 =	sld [smem:$0x3FAB]  }
0x2b: {  	s6 =	sld [smem:$0x3FAC]  }
0x2c: {  	s7 =	sld [smem:$0x3FAD]  }
0x2d: {  	s3 =	simm.s32 $0x108;
	s8 =	sld [smem:$0x3FAE]  }
0x2e: {  	s3 =	simm.s32 @!p0 $0x1082;
	s9 =	sld [smem:$0x3FAF]  }
0x2f: {  	lr =	sadd.s32 s0, s3;
	s0 =	sld [smem:$0x3FA6]  }
0x30: {  	s3 =	sld [smem:$0x3FA9]  }
0x31: {  	[smem:$0x3FB2] =	sst s10  }
0x32: {  	s10 =	sld [smem:$0x3FB0];
	_ =	sdelay $0x3  }
0x33: {  	p0 =	seq.s32 s10, $0x1;
	s10 =	sld [smem:$0x3FB2];
	_ =	sdelay $0x3  }
0x34: {  	[smem:$0x3FB2] =	sst s10  }
0x35: {  	s10 =	sld [smem:$0x3FB1];
	_ =	sdelay $0x3  }
0x36: {  	p1 =	seq.s32 s10, $0x1;
	s10 =	sld [smem:$0x3FB2];
	_ =	sdelay $0x3  }
0x37: {  	[smem:$0x3FB2] =	sst s10  }
0x38: {  	s10 =	sld [smem:$0x3FB3]  }
0x39: {  	_ = 	snop;
	(pc) =	sbr.ind lr, $3  }
0x3a: {  	_ = 	snop  }
0x3b: {  	_ = 	snop  }
0x3c: {  	p2 =	seq.s32 s10, $0x1;
	s10 =	sld [smem:$0x3FB2]  }
0x3d: {  	_ =	shalt  }
0x3e: {  	_ =	shalt  }
0x3f: {  	_ =	shalt  }
0x40: {  	_ =	shalt  }
0x41: {  	_ =	shalt  }
0x42: {  	_ =	shalt  }
0x43: {  	_ =	shalt  }
0x44: {  	_ =	shalt  }
0x45: {  	_ =	shalt  }
0x46: {  	_ =	shalt  }
0x47: {  	_ =	shalt  }
0x48: {  	_ =	shalt  }
0x49: {  	_ =	shalt  }
0x4a: {  	_ =	shalt  }
0x4b: {  	_ =	shalt  }
0x4c: {  	_ =	shalt  }
0x4d: {  	_ =	shalt  }
0x4e: {  	_ =	shalt  }
0x4f: {  	_ =	shalt  }
0x50: {  	_ =	shalt  }
0x51: {  	_ =	shalt  }
0x52: {  	_ =	shalt  }
0x53: {  	_ =	shalt  }
0x54: {  	_ =	shalt  }
0x55: {  	_ =	shalt  }
0x56: {  	_ =	shalt  }
0x57: {  	_ =	shalt  }
0x58: {  	_ =	shalt  }
0x59: {  	_ =	shalt  }
0x5a: {  	_ =	shalt  }
0x5b: {  	_ =	shalt  }
0x5c: {  	_ =	shalt  }
0x5d: {  	_ =	shalt  }
0x5e: {  	_ =	shalt  }
0x5f: {  	_ =	shalt  }
0x60: {  	_ =	shalt  }
0x61: {  	_ =	shalt  }
0x62: {  	_ =	shalt  }
0x63: {  	_ =	shalt  }
0x64: {  	_ =	shalt  }
0x65: {  	_ =	shalt  }
0x66: {  	_ =	shalt  }
0x67: {  	_ =	shalt  }
0x68: {  	_ =	shalt  }
0x69: {  	_ =	shalt  }
0x6a: {  	_ =	shalt  }
0x6b: {  	_ =	shalt  }
0x6c: {  	_ =	shalt  }
0x6d: {  	_ =	shalt  }
0x6e: {  	_ =	shalt  }
0x6f: {  	_ =	shalt  }
0x70: {  	_ =	shalt  }
0x71: {  	_ =	shalt  }
0x72: {  	_ =	shalt  }
0x73: {  	_ =	shalt  }
0x74: {  	_ =	shalt  }
0x75: {  	_ =	shalt  }
0x76: {  	_ =	shalt  }
0x77: {  	_ =	shalt  }
0x78: {  	_ =	shalt  }
0x79: {  	_ =	shalt  }
0x7a: {  	_ =	shalt  }
0x7b: {  	_ =	shalt  }
0x7c: {  	_ =	shalt  }
0x7d: {  	_ =	shalt  }
0x7e: {  	_ =	shalt  }
0x7f: {  	_ =	shalt  }
0x80: {  	_ =	shalt  }
0x81: {  	_ =	shalt  }
0x82: {  	_ =	shalt  }
0x83: {  	_ =	shalt  }
0x84: {  	_ =	shalt  }
0x85: {  	_ =	shalt  }
0x86: {  	_ =	shalt  }
0x87: {  	_ =	shalt  }
.Lfunc_end0:
.L_simem_size_0:
called_computation.1_lowered:
.L_overlay_start_0:
0x88: {  	s2 =	sld [smem:$0x3FD9]  }
0x89: {  	s3 =	sld [smem:$0x3FFE];
	_ =	sdelay $0x1  }
0x8a: {  	s1 =	srdreg.scid  }
0x8b: {  	s0 =	sand.u32 $0x1, s1  }
0x8c: {  	s17 =	sshll.u32 s0, $0xA;
	s2 =	sadd.s32 s3, s2  }
0x8d: {  	s2 =	sadd.s32 s2, s17  }
0x8e: {  	[smem:$0x3FBE] =	sst s2  }
0x8f: {  	_ = 	snop  }
0x90: {  	(tm) =	ssettm $0x1  }
0x91: {  	s18 =	sld [smem:$0x3FFB];
	_ =	sdelay $0x3  }
0x92: {  	_ =	strace s18  }
0x93: {  	s2 =	sld [smem:$0x3FFC];
	_ =	sdelay $0x3  }
0x94: {  	_ =	strace s2  }
0x95: {  	s2 =	sld [smem:$0x3FFD];
	_ =	sdelay $0x3  }
0x96: {  	_ =	strace s2  }
0x97: {  	_ =	strace $0x8FFFFFFF  }
0x98: {  	s19 =	sld [smem:$0x3FDB];
	_ =	sdelay $0x1  }
0x99: {  	s20 =	simm.s32 $_scs_section_size  }
0x9a: {  	s4 =	simm.s32 $_size__tile_overlayer_lowered;
	s5 =	simm.s32 $_tile_overlayer_lowered  }
0x9b: {  	s6 =	simm.s32 $0x1BFF;
	s21 =	sshll.u32 s5, $0x1;
	s3 =	sadd.s32 s20, s19  }
0x9c: {  	s22 =	simm.s32 $0x0;
	s4 =	sshll.u32 s4, $0x1;
	s5 =	sadd.s32 s21, s3  }
0x9d: {  	[timem:s22], [sflag:s6] =	dma.local [hbm:s5], s4  }
0x9e: {  	_ =	swait.ge [sflag:s6], s4  }
0x9f: {  	s4 =	ssub.s32 $0x0, s4;
	[sflag:s6] =	ssyncset.done $0x0  }
0xa0: {  	[sflag:s6] =	ssyncadd.s32 s4;
	_ =	sdelay $0x1  }
0xa1: {  	s23 =	simm.s32 $0x1B8B  }
0xa2: {  	_ =	swait.ge [sflag:s23], $0x1  }
0xa3: {  	[sflag:s23] =	ssyncset.done $0x0  }
0xa4: {  	[sflag:s23] =	ssyncadd.s32 $0xFFFFFFFF  }
0xa5: {  	s4 =	sld [smem:$0x0]  }
0xa6: {  	s5 =	sand.u32 $0xFFFFFFFE, s1  }
0xa7: {  	p0 =	sne.s32 s1, s5  }
0xa8: {  	s5 =	sshll.u32 @p0 s5, $0xE  }
0xa9: {  	s5 =	sadd.s32 @p0 $0x11B8D, s5;
	s6 =	sshll.u32 @p0 s4, $0x11  }
0xaa: {  	s5 =	sor.u32 @p0 s6, s5  }
0xab: {  	[sflag:s5] =	ssyncadd.remote.s32 @p0 $0x1;
	_ =	sdelay $0x1  }
0xac: {  	s5 =	simm.s32 @p0 $0x1B8D  }
0xad: {  	_ =	swait.eq @p0 [sflag:s5], $0x1  }
0xae: {  	[sflag:s5] =	ssyncadd.s32 @p0 $0xFFFFFFFF  }
0xaf: {  	s6 =	sshll.u32 @!p0 s1, $0xE  }
0xb0: {  	s6 =	sor.u32 @!p0 $0x4000, s6;
	s5 =	simm.s32 @!p0 $0x1B8D  }
0xb1: {  	s4 =	sshll.u32 @!p0 s4, $0x11;
	s6 =	sadd.s32 @!p0 $0x11B8D, s6;
	_ =	swait.eq @!p0 [sflag:s5], $0x1  }
0xb2: {  	s4 =	sor.u32 @!p0 s4, s6;
	[sflag:s5] =	ssyncadd.s32 @!p0 $0xFFFFFFFF  }
0xb3: {  	s25 =	simm.s32 $0x1B8E;
	s24 =	sld [smem:$0x3FFE];
	[sflag:s4] =	ssyncadd.remote.s32 @!p0 $0x1  }
0xb4: {  	s26 =	simm.s32 $execute0_lowered;
	[smem:$0x3FD2] =	sst s25  }
0xb5: {  	s5 =	sshll.u32 s26, $0x1;
	_ =	strace $0x80000049;
	[dreg:$0x1] =	wrdreg $0xFFFFFFFF  }
0xb6: {  	s28 =	simm.s32 $_size_execute0_lowered;
	s3 =	sadd.s32 s3, s5;
	[dreg:$0x0] =	wrdreg $0x0  }
0xb7: {  	s5 =	sshll.u32 s28, $0x1;
	[dreg:$0x2] =	wrdreg s3  }
0xb8: {  	[dreg:$0x3] =	wrdreg s5  }
0xb9: {  	[dreg:$0x4] =	wrdreg $0xC0  }
0xba: {  	_ =	task [dreg:s22], $0x5FFFF  }
0xbb: {  	[dreg:$0x1] =	wrdreg $0xFFFFFFFF  }
0xbc: {  	[dreg:$0x0] =	wrdreg $0x60  }
0xbd: {  	[dreg:$0x2] =	wrdreg s24  }
0xbe: {  	[dreg:$0x3] =	wrdreg $0x54000  }
0xbf: {  	[dreg:$0x4] =	wrdreg $0xA  }
0xc0: {  	_ =	task.clear_ibuf [dreg:s22], $0x5FFFF;
	_ =	strace $0x90000049  }
0xc1: {  	s29 =	simm.s32 $0xA;
	_ =	strace $0x8000004B  }
0xc2: {  	_ =	swait.ge [sflag:s29], $0x1  }
0xc3: {  	[sflag:s29] =	ssyncadd.s32 $0xFFFFFFFF  }
0xc4: {  	_ =	strace $0x9000004B  }
0xc5: {  	_ =	sfence  }
0xc6: {  	s30 =	sld [smem:$0x0];
	_ =	sdelay $0x2  }
0xc7: {  	s31 =	sshll.u32 s1, $0xD;
	s1 =	sshrl.u32 s1, $0x2  }
0xc8: {  	s4 =	sand.u32 $0x4000, s31;
	s1 =	sadd.s32 s1, s30  }
0xc9: {  	s0 =	sor.u32 s4, s0;
	s1 =	sshll.u32 s1, $0x11  }
0xca: {  	s0 =	sor.u32 s1, s0  }
0xcb: {  	s0 =	sadd.s32 $0x8F2B, s0  }
0xcc: {  	[sflag:s0] =	ssyncadd.remote.s32 $0x1  }
0xcd: {  	_ =	sfence.sel $0xFFFF  }
0xce: {  	[dreg:$0x0] =	wrdreg $0xFFFFFFFF;
	(pc) =	sbr.abs _section_cstart, $3  }
0xcf: {  	[dreg:$0x1] =	wrdreg $0xFFFFFFFF  }
0xd0: {  	_ =	task.clear_ibuf [dreg:s22], $0x2FFFF;
	_ =	strace $0x9FFFFFFF  }
0xd1: {  	(tm) =	ssettm $0x7FFFFFFF  }
tec
execute0_lowered:
.L_overlay_start_1:
0x0: {  	(tag) =	ssettag $0x1  }
0x1: {  	s1 =	srdreg.scid;
	s6 =	rddreg [dreg:$0x0]  }
0x2: {  	s0 =	stileid.u32;
	s2 =	rddreg [dreg:$0x1];
	s3 =	simm.s32 $0x0  }
0x3: {  	s5 =	sand.u32 $0x1, s1;
	s1 =	rddreg [dreg:$0x2];
	s8 =	smul.u32 $0x51000, s0  }
0x4: {  	s18 =	sshll.u32 s0, $0x1;
	[smem:$0x7FF] =	sst s3;
	s12 =	smul.u32 $0x14000, s0  }
0x5: {  	s13 =	sadd.s32 $0x59800, s6;
	s21 =	smul.u32 $0x50000, s0;
	s4 =	sor.u32 s5, s18  }
0x6: {  	_ =	strace $0x8000004A;
	s9 =	ssub.s32 $0x2, s5;
	s10 =	smul.u32 $0x140000, s5  }
0x7: {  	s5 =	sadd.s32 $0x6600, s6;
	s4 =	smul.u32 $0x280, s4;
	s11 =	sshrl.u32 s9, $0x1  }
0x8: {  	s19 =	sshrl.u32 s8, $0x2;
	s23 =	sadd.s32 $0x4000, s12;
	s24 =	sshrl.u32 s21, $0x2  }
0x9: {  	s16 =	sadd.s32 $0x8000, s12;
	s29 =	sadd.s32 $0xC000, s12;
	s14 =	ssub.s32 s9, s11  }
0xa: {  	s20 =	sadd.s32 s12, s10;
	s15 =	sadd.s32 s19, s2;
	s25 =	sadd.s32 s10, s23  }
0xb: {  	s17 =	sadd.s32 s24, s2;
	s18 =	sadd.s32 s23, s2;
	s28 =	sadd.s32 s10, s16  }
0xc: {  	s12 =	sadd.s32 $0x10000, s12;
	s19 =	sadd.s32 s10, s29;
	s21 =	sadd.s32 s29, s2  }
0xd: {  	s7 =	sadd.s32 s4, s6;
	s4 =	sadd.s32 $0x59000, s6;
	s22 =	sshrl.u32 s20, $0x3  }
0xe: {  	s26 =	sshrl.u32 s25, $0x3;
	s9 =	sshrl.u32 s28, $0x3;
	s10 =	sadd.s32 s10, s12  }
0xf: {  	s20 =	sadd.s32 s16, s2;
	s30 =	sshrl.u32 s19, $0x3;
	s15 =	sshrl.u32 s15, $0x3  }
0x10: {  	s16 =	simm.s32 $0x80;
	s17 =	sshrl.u32 s17, $0x3;
	s18 =	sshrl.u32 s18, $0x3  }
0x11: {  	s6 =	sadd.s32 $0x1600, s7;
	s7 =	sadd.s32 s13, s22;
	s8 =	sadd.s32 s13, s26  }
0x12: {  	s9 =	sadd.s32 s13, s9;
	s31 =	sshrl.u32 s10, $0x3;
	s10 =	sadd.s32 s13, s30  }
0x13: {  	s22 =	sadd.s32 s12, s2;
	s12 =	smax.u32 s14, $0x1;
	s14 =	simm.s32 $0x1400  }
0x14: {  	s19 =	sshrl.u32 s20, $0x3;
	s20 =	sshrl.u32 s21, $0x3;
	s11 =	sadd.s32 s13, s31  }
0x15: {  	s13 =	simm.s32 $0x1;
	s21 =	sshrl.u32 s22, $0x3;
	s22 =	simm.s32 $0x0  }
.LBB2_1:
0x16: {  	[tilespmem:s3], [sflag:$0x1] =	stream.linear.gather [hbm4b:s6+s3], $0x1400, $0x38;
	[tilespmem:$0x19800] =	vst v63  }
0x17: {  	_ =	swait.ge [sflag:s13], $0x1400  }
0x18: {  	[sflag:s13] =	ssyncset.done $0x0  }
0x19: {  	[sflag:s13] =	ssyncadd.s32 $0xFFFFEC00  }
0x1a: {  	[tilespmem:s14], [sflag:$0x1] =	stream.linear.gather [hbm4b:s4+s3], $0x4000, $0x38;
	[tilespmem:$0x19800] =	vst v63  }
0x1b: {  	_ =	swait.ge [sflag:s13], $0x4000  }
0x1c: {  	s23 =	sshll.u32 s0, $0x6;
	[sflag:s13] =	ssyncset.done $0x0  }
0x1d: {  	s23 =	sor.u32 $0x1C01, s23;
	[sflag:s13] =	ssyncadd.s32 $0xFFFFC000  }
0x1e: {  	[spmem:s15], [sflag:s23] =	dma.local [hbm:s5], $0x2880  }
0x1f: {  	_ =	swait.ge [sflag:s13], $0x2880  }
0x20: {  	[sflag:s13] =	ssyncset.done $0x0  }
0x21: {  	[sflag:s13] =	ssyncadd.s32 $0xFFFFD780  }
0x22: {  	s24 =	simm.s32 $0x0;
	[bflag:$0x0] =	sbarrier.arrive $0xFFFF  }
0x23: {  	[spmem:s2] =	stream.indirect.scatter.add.f32 [tilespmem:s14], [sflag:$0x1], $0x80, s24, s16, $0xb8;
	[tilespmem:$0x19800] =	vst v63  }
0x24: {  	_ =	swait.ge [sflag:s13], $0x4000  }
0x25: {  	s24 =	simm.s32 $0x200;
	[sflag:s13] =	ssyncset.done $0x0  }
.LBB2_2:
0x26: {  	s25 =	sshra.s32 s24, $0x2;
	[sflag:s13] =	ssyncadd.s32 $0xFFFFC000;
	p0 =	sne.s32 s24, $0x4E00  }
0x27: {  	[spmem:s2] =	stream.indirect.scatter.add.f32 [tilespmem:s14], [sflag:$0x1], $0x80, s25, s16, $0xb8;
	[tilespmem:$0x19800] =	vst v63  }
.Ltmp0:
0x28: {  	_ = 	snop;
	(pc) =	sbr.rel @p0 .LBB2_2-.Ltmp0, $4  }
0x29: {  	_ = 	snop  }
0x2a: {  	s24 =	sadd.s32 $0x200, s24  }
0x2b: {  	_ =	swait.ge [sflag:s13], $0x4000  }
0x2c: {  	[sflag:s13] =	ssyncset.done $0x0  }
0x2d: {  	[sflag:s13] =	ssyncadd.s32 $0xFFFFC000  }
0x2e: {  	[bflag:$0x0] =	sbarrier.arrive $0xFFFF  }
0x2f: {  	[hbm:s7], [sflag:s23] =	dma.local [spmem:s17], $0x800  }
0x30: {  	_ =	swait.ge [sflag:s13], $0x800  }
0x31: {  	[sflag:s13] =	ssyncset.done $0x0  }
0x32: {  	[sflag:s13] =	ssyncadd.s32 $0xFFFFF800  }
0x33: {  	[hbm:s8], [sflag:s23] =	dma.local [spmem:s18], $0x800  }
0x34: {  	_ =	swait.ge [sflag:s13], $0x800  }
0x35: {  	[sflag:s13] =	ssyncset.done $0x0  }
0x36: {  	[sflag:s13] =	ssyncadd.s32 $0xFFFFF800  }
0x37: {  	[hbm:s9], [sflag:s23] =	dma.local [spmem:s19], $0x800  }
0x38: {  	_ =	swait.ge [sflag:s13], $0x800  }
0x39: {  	[sflag:s13] =	ssyncset.done $0x0  }
0x3a: {  	[sflag:s13] =	ssyncadd.s32 $0xFFFFF800  }
0x3b: {  	[hbm:s10], [sflag:s23] =	dma.local [spmem:s20], $0x800  }
0x3c: {  	s22 =	sadd.s32 $0x1, s22;
	_ =	swait.ge [sflag:s13], $0x800  }
0x3d: {  	p0 =	sne.s32 s22, s12;
	[sflag:s13] =	ssyncset.done $0x0  }
.Ltmp1:
0x3e: {  	[sflag:s13] =	ssyncadd.s32 $0xFFFFF800;
	(pc) =	sbr.rel @p0 .LBB2_1-.Ltmp1, $4  }
0x3f: {  	[hbm:s11], [sflag:s23] =	dma.local [spmem:s21], $0x800  }
0x40: {  	_ =	swait.ge [sflag:s13], $0x800  }
0x41: {  	[sflag:s13] =	ssyncset.done $0x0  }
0x42: {  	[sflag:s13] =	ssyncadd.s32 $0xFFFFF800  }
0x43: {  	_ =	sfence.sel $0x180000  }
0x44: {  	[bflag:$0x0] =	sbarrier.arrive $0xFFFF  }
0x45: {  	p0 =	sne.s32 s0, $0x0;
	_ =	strace $0x9000004A  }
0x46: {  	s0 =	sadd.s32 @!p0 $0x100000, s1;
	[bflag:$0x2] =	sbarrier.arrive $0xFFFF  }
0x47: {  	[sflag:s0] =	ssyncadd.tile.s32 @!p0 $0x1;
	_ =	shalt  }
.Lfunc_end2:
_tile_overlayer_lowered:
.L_overlay_start_2:
0x48: {  	(tag) =	ssettag $0x2  }
0x49: {  	s0 =	rddreg [dreg:$0x0];
	s2 =	stileid.u32  }
0x4a: {  	s1 =	rddreg [dreg:$0x1];
	p0 =	sne.s32 s2, $0x0  }
0x4b: {  	s3 =	rddreg [dreg:$0x2];
	[bflag:$0x3] =	sbarrier.arrive $0xFFFF;
	s2 =	simm.s32 @!p0 $0x1C01  }
0x4c: {  	[timem:s3], [sflag:s2] =	dma.local @!p0 [hbm:s0], s1  }
0x4d: {  	s0 =	simm.s32 @!p0 $0x1  }
0x4e: {  	_ =	swait.ge @!p0 [sflag:s0], s1  }
0x4f: {  	s1 =	ssub.s32 @!p0 $0x0, s1;
	[sflag:s0] =	ssyncset.done @!p0 $0x0  }
0x50: {  	[sflag:s0] =	ssyncadd.s32 @!p0 s1  }
0x51: {  	[bflag:$0x3] =	sbarrier.arrive $0xFFFF  }
0x52: {  	_ =	shalt  }

</sc_bundles>
